<compile_context>
chip_gen: v7x
topology: tpu7x:2x2x1
jax: 0.10.2.dev20260603
libtpu: 0.0.44.dev20260713+nightly
codegen_flags: <defaults>
</compile_context>

<pallas_src>
import jax
import jax.numpy as jnp
from jax import lax
from jax.experimental import pallas as pl
from jax.experimental.pallas import tpu as pltpu
from jax.experimental.pallas import tpu_sc as plsc

_L = 200
_B = 4096
_D = 64
_V = 1000000
_BC = 256
_CHW = _B // _BC
_NU = _L * _CHW
_NC = 2
_NS = 16
_NW = _NC * _NS
_UW = _NU // _NW
_NG = _BC // 128


def _body(xt_hbm, tbl_hbm, out_hbm, ibuf, gbuf, pbuf, isem, gsem, osem):
    c = lax.axis_index("c")
    s = lax.axis_index("s")
    wid = s * _NC + c
    u_base = wid * _UW

    iota16 = lax.iota(jnp.int32, 16)

    def unit_lb(u):
        ug = u_base + u
        return ug // _CHW, lax.rem(ug, _CHW)

    def fire_idx(u, s4):
        l, bc = unit_lb(u)
        pltpu.async_copy(xt_hbm.at[l, pl.ds(bc * _NG, _NG)], ibuf.at[s4],
                         isem.at[s4])

    def wait_idx(u, s4):
        l, bc = unit_lb(u)
        pltpu.make_async_copy(xt_hbm.at[l, pl.ds(bc * _NG, _NG)],
                              ibuf.at[s4], isem.at[s4]).wait()

    def fire_gather(s4, s2):
        for k in range(_NG):
            pltpu.async_copy(tbl_hbm.at[ibuf.at[s4, k]],
                             gbuf.at[s2, pl.ds(k * 128, 128)], gsem.at[s2])

    def drain_gather(s4, s2):
        for k in range(_NG):
            pltpu.make_async_copy(tbl_hbm.at[ibuf.at[s4, k]],
                                  gbuf.at[s2, pl.ds(k * 128, 128)],
                                  gsem.at[s2]).wait()

    def fire_out(u, s2):
        l, bc = unit_lb(u)
        pltpu.async_copy(pbuf.at[s2, :, :, :, pl.ds(0, 128)],
                         out_hbm.at[l, :, pl.ds(bc * 2, 2)],
                         osem.at[s2])

    def drain_out(u, s2):
        l, bc = unit_lb(u)
        pltpu.make_async_copy(pbuf.at[s2, :, :, :, pl.ds(0, 128)],
                              out_hbm.at[l, :, pl.ds(bc * 2, 2)],
                              osem.at[s2]).wait()

    zeros16 = jnp.zeros((16,), jnp.int32)
    dgv = [(iota16 + cc * 16) >> 3 for cc in range(_D // 16)]
    dsv = [(iota16 + cc * 16) & 7 for cc in range(_D // 16)]

    def transpose_scale(s2):
        svec = zeros16 + s2

        @plsc.parallel_loop(0, _BC, 1, unroll=8)
        def _(b):
            btv = zeros16 + (b >> 7)
            lnv = zeros16 + (b & 127)
            for cc in range(_D // 16):
                vals = gbuf[s2, b, pl.ds(cc * 16, 16)] * 8.0
                plsc.store_scatter(pbuf, [svec, dgv[cc], btv, dsv[cc],
                                          lnv], vals)

    fire_idx(0, 0)
    fire_idx(1, 1)
    fire_idx(2, 2)
    wait_idx(0, 0)
    fire_gather(0, 0)

    def body(u, carry):
        s2 = lax.rem(u, 2)
        s4 = lax.rem(u, 4)
        drain_gather(s4, s2)

        @pl.when(u + 1 < _UW)
        def _():
            wait_idx(u + 1, lax.rem(u + 1, 4))
            fire_gather(lax.rem(u + 1, 4), lax.rem(u + 1, 2))

        @pl.when(u >= 2)
        def _():
            drain_out(u - 2, s2)

        transpose_scale(s2)
        fire_out(u, s2)

        @pl.when(u + 3 < _UW)
        def _():
            fire_idx(u + 3, lax.rem(u + 3, 4))

        return carry

    lax.fori_loop(0, _UW, body, 0)
    drain_out(_UW - 2, lax.rem(_UW - 2, 2))
    drain_out(_UW - 1, lax.rem(_UW - 1, 2))


def kernel(x, embedding):
    xt = (jnp.transpose(x).astype(jnp.int32) * 2).reshape(_L, _B // 128, 128)
    tbl = jnp.concatenate(
        [embedding, jnp.zeros((_V, _D), jnp.float32)], axis=1
    ).reshape(2 * _V, _D)
    mesh = plsc.VectorSubcoreMesh(core_axis_name="c", subcore_axis_name="s")
    p = pl.kernel(
        _body,
        out_type=jax.ShapeDtypeStruct((_L, _D // 8, _B // 128, 8, 128),
                                      jnp.float32),
        mesh=mesh,
        scratch_types=[
            pltpu.VMEM((4, _NG, 128), jnp.int32),
            pltpu.VMEM((2, _BC, _D), jnp.float32),
            pltpu.VMEM((2, 8, 2, 8, 129), jnp.float32),
            pltpu.SemaphoreType.DMA((4,)),
            pltpu.SemaphoreType.DMA((2,)),
            pltpu.SemaphoreType.DMA((2,)),
        ],
        compiler_params=pltpu.CompilerParams(use_tc_tiling_on_sc=False,
                                             needs_layout_passes=False),
    )(xt, tbl)
    return jnp.transpose(p, (2, 4, 0, 1, 3)).reshape(_B, _L, _D)

# --- scband reference (transcript-rebuilt; emitter-appended) ---
"""Pipeline reference for scband-embedder-11098195493650 (READ-ONLY COPY).

The authoritative reference and input builder live on the scoring server;
editing this copy changes nothing except your own understanding.
"""

import jax, jax.numpy as jnp
import numpy as np

VOCAB = 1000000
EMBED_DIM = 64
B = 4096
L = 200

def setup_inputs(seed: int = 0) -> dict:
    key = jax.random.key(seed)
    k1, k2 = jax.random.split(key)
    x = jax.random.randint(k1, (B, L), 0, VOCAB, dtype=jnp.int64) if jax.config.jax_enable_x64 else jax.random.randint(k1, (B, L), 0, VOCAB, dtype=jnp.int32)
    embedding = jax.random.normal(k2, (VOCAB, EMBED_DIM), dtype=jnp.float32) * 0.02
    return {"x": x, "embedding": embedding}

def reference(x, embedding):
    # Embedder.encode: gather rows from the table, then scale by sqrt(embed_dim).
    out = jnp.take(embedding, x, axis=0)
    out = out * jnp.sqrt(jnp.asarray(EMBED_DIM, dtype=out.dtype))
    return out

if __name__ == "__main__":
    import jax
    _d = setup_inputs()
    print(jax.jit(kernel)(*tuple(_d.values())))

</pallas_src>

<mosaic_0001>
#map = affine_map<(d0, d1) -> (0, 0, 0)>
#map1 = affine_map<(d0, d1) -> (0, 0)>
#map2 = affine_map<(d0, d1) -> (0, 0, 0, 0, 0)>
module attributes {stable_mosaic.version = 14 : i64} {
  func.func @_body(%arg0: i32, %arg1: i32, %arg2: memref<200x32x128xi32, #tpu.memory_space<hbm>>, %arg3: memref<2000000x64xf32, #tpu.memory_space<hbm>>, %arg4: memref<200x8x32x8x128xf32, #tpu.memory_space<hbm>>, %arg5: memref<4x2x128xi32, #tpu.memory_space<vmem>>, %arg6: memref<2x256x64xf32, #tpu.memory_space<vmem>>, %arg7: memref<2x8x2x8x129xf32, #tpu.memory_space<vmem>>, %arg8: memref<4x!tpu.dma_semaphore, #tpu.memory_space<semaphore_mem>>, %arg9: memref<2x!tpu.dma_semaphore, #tpu.memory_space<semaphore_mem>>, %arg10: memref<2x!tpu.dma_semaphore, #tpu.memory_space<semaphore_mem>>) attributes {dimension_semantics = [#tpu.dimension_semantics<core_parallel>, #tpu.dimension_semantics<subcore_parallel>], iteration_bounds = array<i64: 2, 16>, scalar_prefetch = 0 : i64, scratch_operands = 6 : i64, tpu.core_type = #tpu.core_type<sc_vector_subcore>, window_params = [{transform_indices = #map}, {transform_indices = #map1}, {transform_indices = #map2}]} {
    %mul3A = arith.constant 2 : i32
    %mul3A_0 = arith.muli %arg1, %mul3A : i32
    %add3A = arith.addi %mul3A_0, %arg0 : i32
    %mul3A_1 = arith.constant 100 : i32
    %mul3A_2 = arith.muli %add3A, %mul3A_1 : i32
    %iota3A = tpu.iota {dimensions = array<i32: 0>} : vector<16xi32>
    %broadcast_in_dim3A = arith.constant 0 : i32
    %broadcast_in_dim3A_3 = vector.broadcast %broadcast_in_dim3A : i32 to vector<16xi32>
    %add3A_4 = arith.constant 0 : i32
    %add3A_5 = vector.broadcast %add3A_4 : i32 to vector<16xi32>
    %add3A_6 = arith.addi %iota3A, %add3A_5 : vector<16xi32>
    %shift_right_arithmetic3A = arith.constant 3 : i32
    %shift_right_arithmetic3A_7 = vector.broadcast %shift_right_arithmetic3A : i32 to vector<16xi32>
    %shift_right_arithmetic3A_8 = arith.shrsi %add3A_6, %shift_right_arithmetic3A_7 : vector<16xi32>
    %add3A_9 = arith.constant 16 : i32
    %add3A_10 = vector.broadcast %add3A_9 : i32 to vector<16xi32>
    %add3A_11 = arith.addi %iota3A, %add3A_10 : vector<16xi32>
    %shift_right_arithmetic3A_12 = arith.constant 3 : i32
    %shift_right_arithmetic3A_13 = vector.broadcast %shift_right_arithmetic3A_12 : i32 to vector<16xi32>
    %shift_right_arithmetic3A_14 = arith.shrsi %add3A_11, %shift_right_arithmetic3A_13 : vector<16xi32>
    %add3A_15 = arith.constant 32 : i32
    %add3A_16 = vector.broadcast %add3A_15 : i32 to vector<16xi32>
    %add3A_17 = arith.addi %iota3A, %add3A_16 : vector<16xi32>
    %shift_right_arithmetic3A_18 = arith.constant 3 : i32
    %shift_right_arithmetic3A_19 = vector.broadcast %shift_right_arithmetic3A_18 : i32 to vector<16xi32>
    %shift_right_arithmetic3A_20 = arith.shrsi %add3A_17, %shift_right_arithmetic3A_19 : vector<16xi32>
    %add3A_21 = arith.constant 48 : i32
    %add3A_22 = vector.broadcast %add3A_21 : i32 to vector<16xi32>
    %add3A_23 = arith.addi %iota3A, %add3A_22 : vector<16xi32>
    %shift_right_arithmetic3A_24 = arith.constant 3 : i32
    %shift_right_arithmetic3A_25 = vector.broadcast %shift_right_arithmetic3A_24 : i32 to vector<16xi32>
    %shift_right_arithmetic3A_26 = arith.shrsi %add3A_23, %shift_right_arithmetic3A_25 : vector<16xi32>
    %add3A_27 = arith.constant 0 : i32
    %add3A_28 = vector.broadcast %add3A_27 : i32 to vector<16xi32>
    %add3A_29 = arith.addi %iota3A, %add3A_28 : vector<16xi32>
    %and3A = arith.constant 7 : i32
    %and3A_30 = vector.broadcast %and3A : i32 to vector<16xi32>
    %and3A_31 = arith.andi %add3A_29, %and3A_30 : vector<16xi32>
    %add3A_32 = arith.constant 16 : i32
    %add3A_33 = vector.broadcast %add3A_32 : i32 to vector<16xi32>
    %add3A_34 = arith.addi %iota3A, %add3A_33 : vector<16xi32>
    %and3A_35 = arith.constant 7 : i32
    %and3A_36 = vector.broadcast %and3A_35 : i32 to vector<16xi32>
    %and3A_37 = arith.andi %add3A_34, %and3A_36 : vector<16xi32>
    %add3A_38 = arith.constant 32 : i32
    %add3A_39 = vector.broadcast %add3A_38 : i32 to vector<16xi32>
    %add3A_40 = arith.addi %iota3A, %add3A_39 : vector<16xi32>
    %and3A_41 = arith.constant 7 : i32
    %and3A_42 = vector.broadcast %and3A_41 : i32 to vector<16xi32>
    %and3A_43 = arith.andi %add3A_40, %and3A_42 : vector<16xi32>
    %add3A_44 = arith.constant 48 : i32
    %add3A_45 = vector.broadcast %add3A_44 : i32 to vector<16xi32>
    %add3A_46 = arith.addi %iota3A, %add3A_45 : vector<16xi32>
    %and3A_47 = arith.constant 7 : i32
    %and3A_48 = vector.broadcast %and3A_47 : i32 to vector<16xi32>
    %and3A_49 = arith.andi %add3A_46, %and3A_48 : vector<16xi32>
    %add3A_50 = arith.constant 0 : i32
    %add3A_51 = arith.addi %mul3A_2, %add3A_50 : i32
    %jit3A = arith.constant 16 : i32
    %div3A = arith.divsi %add3A_51, %jit3A : i32
    %sign3A = arith.constant 0 : i32
    %sign3A_52 = arith.cmpi sgt, %add3A_51, %sign3A : i32
    %sign3A_53 = arith.extui %sign3A_52 : i1 to i32
    %sign3A_54 = arith.constant 0 : i32
    %sign3A_55 = arith.cmpi slt, %add3A_51, %sign3A_54 : i32
    %sign3A_56 = arith.extui %sign3A_55 : i1 to i32
    %sign3A_57 = arith.subi %sign3A_53, %sign3A_56 : i32
    %sign3A_58 = arith.constant 0 : i32
    %sign3A_59 = arith.cmpi sgt, %jit3A, %sign3A_58 : i32
    %sign3A_60 = arith.extui %sign3A_59 : i1 to i32
    %sign3A_61 = arith.constant 0 : i32
    %sign3A_62 = arith.cmpi slt, %jit3A, %sign3A_61 : i32
    %sign3A_63 = arith.extui %sign3A_62 : i1 to i32
    %sign3A_64 = arith.subi %sign3A_60, %sign3A_63 : i32
    %ne3A = arith.cmpi ne, %sign3A_57, %sign3A_64 : i32
    %rem3A = arith.remsi %add3A_51, %jit3A : i32
    %ne3A_65 = arith.constant 0 : i32
    %ne3A_66 = arith.cmpi ne, %rem3A, %ne3A_65 : i32
    %and3A_67 = arith.andi %ne3A, %ne3A_66 : i1
    %sub3A = arith.constant 1 : i32
    %sub3A_68 = arith.subi %div3A, %sub3A : i32
    %select_n3A = arith.select %and3A_67, %sub3A_68, %div3A : i32
    %rem3A_69 = arith.constant 16 : i32
    %rem3A_70 = arith.remsi %add3A_51, %rem3A_69 : i32
    %mul3A_71 = arith.constant 2 : i32
    %mul3A_72 = arith.muli %rem3A_70, %mul3A_71 : i32
    %dma_start3A = arith.constant 0 : i32
    %dma_start3A_73 = arith.constant 0 : i32
    %dma_start3A_74 = arith.constant 0 : i32
    %dma_start3A_75 = arith.constant 0 : i32
    %dma_start3A_76 = tpu.memref_slice %arg5[%dma_start3A, %dma_start3A_74, %dma_start3A_75] : memref<4x2x128xi32, #tpu.memory_space<vmem>> -> memref<1x2x128xi32, #tpu.memory_space<vmem>>
    %dma_start3A_77 = tpu.memref_squeeze %dma_start3A_76 : memref<1x2x128xi32, #tpu.memory_space<vmem>> -> memref<2x128xi32, #tpu.memory_space<vmem>>
    %dma_start3A_78 = arith.constant 0 : i32
    %dma_start3A_79 = tpu.memref_slice %arg2[%select_n3A, %mul3A_72, %dma_start3A_78] : memref<200x32x128xi32, #tpu.memory_space<hbm>> -> memref<1x2x128xi32, #tpu.memory_space<hbm>>
    %dma_start3A_80 = tpu.memref_squeeze %dma_start3A_79 : memref<1x2x128xi32, #tpu.memory_space<hbm>> -> memref<2x128xi32, #tpu.memory_space<hbm>>
    %dma_start3A_81 = tpu.memref_slice %arg8[%dma_start3A_73] : memref<4x!tpu.dma_semaphore, #tpu.memory_space<semaphore_mem>> -> memref<1x!tpu.dma_semaphore, #tpu.memory_space<semaphore_mem>>
    %dma_start3A_82 = tpu.memref_squeeze %dma_start3A_81 : memref<1x!tpu.dma_semaphore, #tpu.memory_space<semaphore_mem>> -> memref<!tpu.dma_semaphore, #tpu.memory_space<semaphore_mem>>
    %dma_start3A_83 = arith.constant 0 : i32
    %dma_start3A_84 = arith.constant 0 : i32
    %dma_start3A_85 = tpu.memref_slice %arg5[%dma_start3A, %dma_start3A_83, %dma_start3A_84] : memref<4x2x128xi32, #tpu.memory_space<vmem>> -> memref<1x2x128xi32, #tpu.memory_space<vmem>>
    %dma_start3A_86 = tpu.memref_squeeze %dma_start3A_85 : memref<1x2x128xi32, #tpu.memory_space<vmem>> -> memref<2x128xi32, #tpu.memory_space<vmem>>
    %dma_start3A_87 = arith.constant 0 : i32
    %dma_start3A_88 = tpu.memref_slice %arg2[%select_n3A, %mul3A_72, %dma_start3A_87] : memref<200x32x128xi32, #tpu.memory_space<hbm>> -> memref<1x2x128xi32, #tpu.memory_space<hbm>>
    %dma_start3A_89 = tpu.memref_squeeze %dma_start3A_88 : memref<1x2x128xi32, #tpu.memory_space<hbm>> -> memref<2x128xi32, #tpu.memory_space<hbm>>
    tpu.enqueue_dma source(%dma_start3A_89 : memref<2x128xi32, #tpu.memory_space<hbm>>) target(%dma_start3A_86 : memref<2x128xi32, #tpu.memory_space<vmem>>) target_semaphore(%dma_start3A_82 : memref<!tpu.dma_semaphore, #tpu.memory_space<semaphore_mem>>)
    %add3A_90 = arith.constant 1 : i32
    %add3A_91 = arith.addi %mul3A_2, %add3A_90 : i32
    %jit3A_92 = arith.constant 16 : i32
    %div3A_93 = arith.divsi %add3A_91, %jit3A_92 : i32
    %sign3A_94 = arith.constant 0 : i32
    %sign3A_95 = arith.cmpi sgt, %add3A_91, %sign3A_94 : i32
    %sign3A_96 = arith.extui %sign3A_95 : i1 to i32
    %sign3A_97 = arith.constant 0 : i32
    %sign3A_98 = arith.cmpi slt, %add3A_91, %sign3A_97 : i32
    %sign3A_99 = arith.extui %sign3A_98 : i1 to i32
    %sign3A_100 = arith.subi %sign3A_96, %sign3A_99 : i32
    %sign3A_101 = arith.constant 0 : i32
    %sign3A_102 = arith.cmpi sgt, %jit3A_92, %sign3A_101 : i32
    %sign3A_103 = arith.extui %sign3A_102 : i1 to i32
    %sign3A_104 = arith.constant 0 : i32
    %sign3A_105 = arith.cmpi slt, %jit3A_92, %sign3A_104 : i32
    %sign3A_106 = arith.extui %sign3A_105 : i1 to i32
    %sign3A_107 = arith.subi %sign3A_103, %sign3A_106 : i32
    %ne3A_108 = arith.cmpi ne, %sign3A_100, %sign3A_107 : i32
    %rem3A_109 = arith.remsi %add3A_91, %jit3A_92 : i32
    %ne3A_110 = arith.constant 0 : i32
    %ne3A_111 = arith.cmpi ne, %rem3A_109, %ne3A_110 : i32
    %and3A_112 = arith.andi %ne3A_108, %ne3A_111 : i1
    %sub3A_113 = arith.constant 1 : i32
    %sub3A_114 = arith.subi %div3A_93, %sub3A_113 : i32
    %select_n3A_115 = arith.select %and3A_112, %sub3A_114, %div3A_93 : i32
    %rem3A_116 = arith.constant 16 : i32
    %rem3A_117 = arith.remsi %add3A_91, %rem3A_116 : i32
    %mul3A_118 = arith.constant 2 : i32
    %mul3A_119 = arith.muli %rem3A_117, %mul3A_118 : i32
    %dma_start3A_120 = arith.constant 1 : i32
    %dma_start3A_121 = arith.constant 1 : i32
    %dma_start3A_122 = arith.constant 0 : i32
    %dma_start3A_123 = arith.constant 0 : i32
    %dma_start3A_124 = tpu.memref_slice %arg5[%dma_start3A_120, %dma_start3A_122, %dma_start3A_123] : memref<4x2x128xi32, #tpu.memory_space<vmem>> -> memref<1x2x128xi32, #tpu.memory_space<vmem>>
    %dma_start3A_125 = tpu.memref_squeeze %dma_start3A_124 : memref<1x2x128xi32, #tpu.memory_space<vmem>> -> memref<2x128xi32, #tpu.memory_space<vmem>>
    %dma_start3A_126 = arith.constant 0 : i32
    %dma_start3A_127 = tpu.memref_slice %arg2[%select_n3A_115, %mul3A_119, %dma_start3A_126] : memref<200x32x128xi32, #tpu.memory_space<hbm>> -> memref<1x2x128xi32, #tpu.memory_space<hbm>>
    %dma_start3A_128 = tpu.memref_squeeze %dma_start3A_127 : memref<1x2x128xi32, #tpu.memory_space<hbm>> -> memref<2x128xi32, #tpu.memory_space<hbm>>
    %dma_start3A_129 = tpu.memref_slice %arg8[%dma_start3A_121] : memref<4x!tpu.dma_semaphore, #tpu.memory_space<semaphore_mem>> -> memref<1x!tpu.dma_semaphore, #tpu.memory_space<semaphore_mem>>
    %dma_start3A_130 = tpu.memref_squeeze %dma_start3A_129 : memref<1x!tpu.dma_semaphore, #tpu.memory_space<semaphore_mem>> -> memref<!tpu.dma_semaphore, #tpu.memory_space<semaphore_mem>>
    %dma_start3A_131 = arith.constant 0 : i32
    %dma_start3A_132 = arith.constant 0 : i32
    %dma_start3A_133 = tpu.memref_slice %arg5[%dma_start3A_120, %dma_start3A_131, %dma_start3A_132] : memref<4x2x128xi32, #tpu.memory_space<vmem>> -> memref<1x2x128xi32, #tpu.memory_space<vmem>>
    %dma_start3A_134 = tpu.memref_squeeze %dma_start3A_133 : memref<1x2x128xi32, #tpu.memory_space<vmem>> -> memref<2x128xi32, #tpu.memory_space<vmem>>
    %dma_start3A_135 = arith.constant 0 : i32
    %dma_start3A_136 = tpu.memref_slice %arg2[%select_n3A_115, %mul3A_119, %dma_start3A_135] : memref<200x32x128xi32, #tpu.memory_space<hbm>> -> memref<1x2x128xi32, #tpu.memory_space<hbm>>
    %dma_start3A_137 = tpu.memref_squeeze %dma_start3A_136 : memref<1x2x128xi32, #tpu.memory_space<hbm>> -> memref<2x128xi32, #tpu.memory_space<hbm>>
    tpu.enqueue_dma source(%dma_start3A_137 : memref<2x128xi32, #tpu.memory_space<hbm>>) target(%dma_start3A_134 : memref<2x128xi32, #tpu.memory_space<vmem>>) target_semaphore(%dma_start3A_130 : memref<!tpu.dma_semaphore, #tpu.memory_space<semaphore_mem>>)
    %add3A_138 = arith.constant 2 : i32
    %add3A_139 = arith.addi %mul3A_2, %add3A_138 : i32
    %jit3A_140 = arith.constant 16 : i32
    %div3A_141 = arith.divsi %add3A_139, %jit3A_140 : i32
    %sign3A_142 = arith.constant 0 : i32
    %sign3A_143 = arith.cmpi sgt, %add3A_139, %sign3A_142 : i32
    %sign3A_144 = arith.extui %sign3A_143 : i1 to i32
    %sign3A_145 = arith.constant 0 : i32
    %sign3A_146 = arith.cmpi slt, %add3A_139, %sign3A_145 : i32
    %sign3A_147 = arith.extui %sign3A_146 : i1 to i32
    %sign3A_148 = arith.subi %sign3A_144, %sign3A_147 : i32
    %sign3A_149 = arith.constant 0 : i32
    %sign3A_150 = arith.cmpi sgt, %jit3A_140, %sign3A_149 : i32
    %sign3A_151 = arith.extui %sign3A_150 : i1 to i32
    %sign3A_152 = arith.constant 0 : i32
    %sign3A_153 = arith.cmpi slt, %jit3A_140, %sign3A_152 : i32
    %sign3A_154 = arith.extui %sign3A_153 : i1 to i32
    %sign3A_155 = arith.subi %sign3A_151, %sign3A_154 : i32
    %ne3A_156 = arith.cmpi ne, %sign3A_148, %sign3A_155 : i32
    %rem3A_157 = arith.remsi %add3A_139, %jit3A_140 : i32
    %ne3A_158 = arith.constant 0 : i32
    %ne3A_159 = arith.cmpi ne, %rem3A_157, %ne3A_158 : i32
    %and3A_160 = arith.andi %ne3A_156, %ne3A_159 : i1
    %sub3A_161 = arith.constant 1 : i32
    %sub3A_162 = arith.subi %div3A_141, %sub3A_161 : i32
    %select_n3A_163 = arith.select %and3A_160, %sub3A_162, %div3A_141 : i32
    %rem3A_164 = arith.constant 16 : i32
    %rem3A_165 = arith.remsi %add3A_139, %rem3A_164 : i32
    %mul3A_166 = arith.constant 2 : i32
    %mul3A_167 = arith.muli %rem3A_165, %mul3A_166 : i32
    %dma_start3A_168 = arith.constant 2 : i32
    %dma_start3A_169 = arith.constant 2 : i32
    %dma_start3A_170 = arith.constant 0 : i32
    %dma_start3A_171 = arith.constant 0 : i32
    %dma_start3A_172 = tpu.memref_slice %arg5[%dma_start3A_168, %dma_start3A_170, %dma_start3A_171] : memref<4x2x128xi32, #tpu.memory_space<vmem>> -> memref<1x2x128xi32, #tpu.memory_space<vmem>>
    %dma_start3A_173 = tpu.memref_squeeze %dma_start3A_172 : memref<1x2x128xi32, #tpu.memory_space<vmem>> -> memref<2x128xi32, #tpu.memory_space<vmem>>
    %dma_start3A_174 = arith.constant 0 : i32
    %dma_start3A_175 = tpu.memref_slice %arg2[%select_n3A_163, %mul3A_167, %dma_start3A_174] : memref<200x32x128xi32, #tpu.memory_space<hbm>> -> memref<1x2x128xi32, #tpu.memory_space<hbm>>
    %dma_start3A_176 = tpu.memref_squeeze %dma_start3A_175 : memref<1x2x128xi32, #tpu.memory_space<hbm>> -> memref<2x128xi32, #tpu.memory_space<hbm>>
    %dma_start3A_177 = tpu.memref_slice %arg8[%dma_start3A_169] : memref<4x!tpu.dma_semaphore, #tpu.memory_space<semaphore_mem>> -> memref<1x!tpu.dma_semaphore, #tpu.memory_space<semaphore_mem>>
    %dma_start3A_178 = tpu.memref_squeeze %dma_start3A_177 : memref<1x!tpu.dma_semaphore, #tpu.memory_space<semaphore_mem>> -> memref<!tpu.dma_semaphore, #tpu.memory_space<semaphore_mem>>
    %dma_start3A_179 = arith.constant 0 : i32
    %dma_start3A_180 = arith.constant 0 : i32
    %dma_start3A_181 = tpu.memref_slice %arg5[%dma_start3A_168, %dma_start3A_179, %dma_start3A_180] : memref<4x2x128xi32, #tpu.memory_space<vmem>> -> memref<1x2x128xi32, #tpu.memory_space<vmem>>
    %dma_start3A_182 = tpu.memref_squeeze %dma_start3A_181 : memref<1x2x128xi32, #tpu.memory_space<vmem>> -> memref<2x128xi32, #tpu.memory_space<vmem>>
    %dma_start3A_183 = arith.constant 0 : i32
    %dma_start3A_184 = tpu.memref_slice %arg2[%select_n3A_163, %mul3A_167, %dma_start3A_183] : memref<200x32x128xi32, #tpu.memory_space<hbm>> -> memref<1x2x128xi32, #tpu.memory_space<hbm>>
    %dma_start3A_185 = tpu.memref_squeeze %dma_start3A_184 : memref<1x2x128xi32, #tpu.memory_space<hbm>> -> memref<2x128xi32, #tpu.memory_space<hbm>>
    tpu.enqueue_dma source(%dma_start3A_185 : memref<2x128xi32, #tpu.memory_space<hbm>>) target(%dma_start3A_182 : memref<2x128xi32, #tpu.memory_space<vmem>>) target_semaphore(%dma_start3A_178 : memref<!tpu.dma_semaphore, #tpu.memory_space<semaphore_mem>>)
    %add3A_186 = arith.constant 0 : i32
    %add3A_187 = arith.addi %mul3A_2, %add3A_186 : i32
    %jit3A_188 = arith.constant 16 : i32
    %div3A_189 = arith.divsi %add3A_187, %jit3A_188 : i32
    %sign3A_190 = arith.constant 0 : i32
    %sign3A_191 = arith.cmpi sgt, %add3A_187, %sign3A_190 : i32
    %sign3A_192 = arith.extui %sign3A_191 : i1 to i32
    %sign3A_193 = arith.constant 0 : i32
    %sign3A_194 = arith.cmpi slt, %add3A_187, %sign3A_193 : i32
    %sign3A_195 = arith.extui %sign3A_194 : i1 to i32
    %sign3A_196 = arith.subi %sign3A_192, %sign3A_195 : i32
    %sign3A_197 = arith.constant 0 : i32
    %sign3A_198 = arith.cmpi sgt, %jit3A_188, %sign3A_197 : i32
    %sign3A_199 = arith.extui %sign3A_198 : i1 to i32
    %sign3A_200 = arith.constant 0 : i32
    %sign3A_201 = arith.cmpi slt, %jit3A_188, %sign3A_200 : i32
    %sign3A_202 = arith.extui %sign3A_201 : i1 to i32
    %sign3A_203 = arith.subi %sign3A_199, %sign3A_202 : i32
    %ne3A_204 = arith.cmpi ne, %sign3A_196, %sign3A_203 : i32
    %rem3A_205 = arith.remsi %add3A_187, %jit3A_188 : i32
    %ne3A_206 = arith.constant 0 : i32
    %ne3A_207 = arith.cmpi ne, %rem3A_205, %ne3A_206 : i32
    %and3A_208 = arith.andi %ne3A_204, %ne3A_207 : i1
    %sub3A_209 = arith.constant 1 : i32
    %sub3A_210 = arith.subi %div3A_189, %sub3A_209 : i32
    %select_n3A_211 = arith.select %and3A_208, %sub3A_210, %div3A_189 : i32
    %rem3A_212 = arith.constant 16 : i32
    %rem3A_213 = arith.remsi %add3A_187, %rem3A_212 : i32
    %mul3A_214 = arith.constant 2 : i32
    %mul3A_215 = arith.muli %rem3A_213, %mul3A_214 : i32
    %dma_wait3A = arith.constant 0 : i32
    %dma_wait3A_216 = arith.constant 0 : i32
    %dma_wait3A_217 = arith.constant 0 : i32
    %dma_wait3A_218 = arith.constant 0 : i32
    %dma_wait3A_219 = tpu.memref_slice %arg5[%dma_wait3A, %dma_wait3A_217, %dma_wait3A_218] : memref<4x2x128xi32, #tpu.memory_space<vmem>> -> memref<1x2x128xi32, #tpu.memory_space<vmem>>
    %dma_wait3A_220 = tpu.memref_squeeze %dma_wait3A_219 : memref<1x2x128xi32, #tpu.memory_space<vmem>> -> memref<2x128xi32, #tpu.memory_space<vmem>>
    %dma_wait3A_221 = arith.constant 0 : i32
    %dma_wait3A_222 = tpu.memref_slice %arg2[%select_n3A_211, %mul3A_215, %dma_wait3A_221] : memref<200x32x128xi32, #tpu.memory_space<hbm>> -> memref<1x2x128xi32, #tpu.memory_space<hbm>>
    %dma_wait3A_223 = tpu.memref_squeeze %dma_wait3A_222 : memref<1x2x128xi32, #tpu.memory_space<hbm>> -> memref<2x128xi32, #tpu.memory_space<hbm>>
    %dma_wait3A_224 = tpu.memref_slice %arg8[%dma_wait3A_216] : memref<4x!tpu.dma_semaphore, #tpu.memory_space<semaphore_mem>> -> memref<1x!tpu.dma_semaphore, #tpu.memory_space<semaphore_mem>>
    %dma_wait3A_225 = tpu.memref_squeeze %dma_wait3A_224 : memref<1x!tpu.dma_semaphore, #tpu.memory_space<semaphore_mem>> -> memref<!tpu.dma_semaphore, #tpu.memory_space<semaphore_mem>>
    %dma_wait3A_226 = arith.constant 0 : i32
    %dma_wait3A_227 = arith.constant 0 : i32
    %dma_wait3A_228 = tpu.memref_slice %arg5[%dma_wait3A, %dma_wait3A_226, %dma_wait3A_227] : memref<4x2x128xi32, #tpu.memory_space<vmem>> -> memref<1x2x128xi32, #tpu.memory_space<vmem>>
    %dma_wait3A_229 = tpu.memref_squeeze %dma_wait3A_228 : memref<1x2x128xi32, #tpu.memory_space<vmem>> -> memref<2x128xi32, #tpu.memory_space<vmem>>
    %dma_wait3A_230 = arith.constant 0 : i32
    %dma_wait3A_231 = tpu.memref_slice %arg2[%select_n3A_211, %mul3A_215, %dma_wait3A_230] : memref<200x32x128xi32, #tpu.memory_space<hbm>> -> memref<1x2x128xi32, #tpu.memory_space<hbm>>
    %dma_wait3A_232 = tpu.memref_squeeze %dma_wait3A_231 : memref<1x2x128xi32, #tpu.memory_space<hbm>> -> memref<2x128xi32, #tpu.memory_space<hbm>>
    tpu.wait_dma2 semaphore(%dma_wait3A_225 : memref<!tpu.dma_semaphore, #tpu.memory_space<semaphore_mem>>) src(%dma_wait3A_232 : memref<2x128xi32, #tpu.memory_space<hbm>>) dst(%dma_wait3A_229 : memref<2x128xi32, #tpu.memory_space<vmem>>)
    %dma_start3A_233 = arith.constant 0 : i32
    %dma_start3A_234 = arith.constant 0 : i32
    %dma_start3A_235 = arith.constant 0 : i32
    %dma_start3A_236 = arith.constant 0 : i32
    %dma_start3A_237 = arith.constant 0 : i32
    %dma_start3A_238 = arith.constant 0 : i32
    %dma_start3A_239 = tpu.memref_slice %arg6[%dma_start3A_235, %dma_start3A_237, %dma_start3A_238] : memref<2x256x64xf32, #tpu.memory_space<vmem>> -> memref<1x128x64xf32, #tpu.memory_space<vmem>>
    %dma_start3A_240 = tpu.memref_squeeze %dma_start3A_239 : memref<1x128x64xf32, #tpu.memory_space<vmem>> -> memref<128x64xf32, #tpu.memory_space<vmem>>
    %dma_start3A_241 = arith.constant 0 : i32
    %dma_start3A_242 = tpu.memref_slice %arg5[%dma_start3A_233, %dma_start3A_234, %dma_start3A_241] : memref<4x2x128xi32, #tpu.memory_space<vmem>> -> memref<1x1x128xi32, #tpu.memory_space<vmem>>
    %dma_start3A_243 = tpu.memref_squeeze %dma_start3A_242 : memref<1x1x128xi32, #tpu.memory_space<vmem>> -> memref<128xi32, #tpu.memory_space<vmem>>
    %dma_start3A_244 = arith.constant 0 : i32
    %dma_start3A_245 = arith.constant 0 : i32
    %dma_start3A_246 = tpu.memref_slice %arg3[%dma_start3A_244, %dma_start3A_245] : memref<2000000x64xf32, #tpu.memory_space<hbm>> -> memref<2000000x64xf32, #tpu.memory_space<hbm>>
    %dma_start3A_247 = tpu.memref_slice %arg9[%dma_start3A_236] : memref<2x!tpu.dma_semaphore, #tpu.memory_space<semaphore_mem>> -> memref<1x!tpu.dma_semaphore, #tpu.memory_space<semaphore_mem>>
    %dma_start3A_248 = tpu.memref_squeeze %dma_start3A_247 : memref<1x!tpu.dma_semaphore, #tpu.memory_space<semaphore_mem>> -> memref<!tpu.dma_semaphore, #tpu.memory_space<semaphore_mem>>
    tpu.enqueue_indirect_dma source(%dma_start3A_246 : memref<2000000x64xf32, #tpu.memory_space<hbm>>) target(%dma_start3A_240 : memref<128x64xf32, #tpu.memory_space<vmem>>) offsets(%dma_start3A_243 : memref<128xi32, #tpu.memory_space<vmem>>) semaphore(%dma_start3A_248 : memref<!tpu.dma_semaphore, #tpu.memory_space<semaphore_mem>>)
    %dma_start3A_249 = arith.constant 0 : i32
    %dma_start3A_250 = arith.constant 1 : i32
    %dma_start3A_251 = arith.constant 0 : i32
    %dma_start3A_252 = arith.constant 0 : i32
    %dma_start3A_253 = arith.constant 128 : i32
    %dma_start3A_254 = arith.constant 0 : i32
    %dma_start3A_255 = tpu.memref_slice %arg6[%dma_start3A_251, %dma_start3A_253, %dma_start3A_254] : memref<2x256x64xf32, #tpu.memory_space<vmem>> -> memref<1x128x64xf32, #tpu.memory_space<vmem>>
    %dma_start3A_256 = tpu.memref_squeeze %dma_start3A_255 : memref<1x128x64xf32, #tpu.memory_space<vmem>> -> memref<128x64xf32, #tpu.memory_space<vmem>>
    %dma_start3A_257 = arith.constant 0 : i32
    %dma_start3A_258 = tpu.memref_slice %arg5[%dma_start3A_249, %dma_start3A_250, %dma_start3A_257] : memref<4x2x128xi32, #tpu.memory_space<vmem>> -> memref<1x1x128xi32, #tpu.memory_space<vmem>>
    %dma_start3A_259 = tpu.memref_squeeze %dma_start3A_258 : memref<1x1x128xi32, #tpu.memory_space<vmem>> -> memref<128xi32, #tpu.memory_space<vmem>>
    %dma_start3A_260 = arith.constant 0 : i32
    %dma_start3A_261 = arith.constant 0 : i32
    %dma_start3A_262 = tpu.memref_slice %arg3[%dma_start3A_260, %dma_start3A_261] : memref<2000000x64xf32, #tpu.memory_space<hbm>> -> memref<2000000x64xf32, #tpu.memory_space<hbm>>
    %dma_start3A_263 = tpu.memref_slice %arg9[%dma_start3A_252] : memref<2x!tpu.dma_semaphore, #tpu.memory_space<semaphore_mem>> -> memref<1x!tpu.dma_semaphore, #tpu.memory_space<semaphore_mem>>
    %dma_start3A_264 = tpu.memref_squeeze %dma_start3A_263 : memref<1x!tpu.dma_semaphore, #tpu.memory_space<semaphore_mem>> -> memref<!tpu.dma_semaphore, #tpu.memory_space<semaphore_mem>>
    tpu.enqueue_indirect_dma source(%dma_start3A_262 : memref<2000000x64xf32, #tpu.memory_space<hbm>>) target(%dma_start3A_256 : memref<128x64xf32, #tpu.memory_space<vmem>>) offsets(%dma_start3A_259 : memref<128xi32, #tpu.memory_space<vmem>>) semaphore(%dma_start3A_264 : memref<!tpu.dma_semaphore, #tpu.memory_space<semaphore_mem>>)
    %scan3A = arith.constant 0 : i32
    %scan3A_265 = arith.constant 0 : i32
    %scan3A_266 = arith.constant 100 : i32
    %scan3A_267 = arith.addi %scan3A_265, %scan3A_266 : i32
    %scan3A_268 = arith.constant 1 : i32
    scf.for %scan3A_384 = %scan3A_265 to %scan3A_267 step %scan3A_268  : i32 {
      %rem3A_385 = arith.constant 2 : i32
      %rem3A_386 = arith.remsi %scan3A_384, %rem3A_385 : i32
      %rem3A_387 = arith.constant 4 : i32
      %rem3A_388 = arith.remsi %scan3A_384, %rem3A_387 : i32
      %dma_wait3A_389 = arith.constant 0 : i32
      %dma_wait3A_390 = arith.constant 0 : i32
      %dma_wait3A_391 = arith.constant 0 : i32
      %dma_wait3A_392 = tpu.memref_slice %arg6[%rem3A_386, %dma_wait3A_390, %dma_wait3A_391] : memref<2x256x64xf32, #tpu.memory_space<vmem>> -> memref<1x128x64xf32, #tpu.memory_space<vmem>>
      %dma_wait3A_393 = tpu.memref_squeeze %dma_wait3A_392 : memref<1x128x64xf32, #tpu.memory_space<vmem>> -> memref<128x64xf32, #tpu.memory_space<vmem>>
      %dma_wait3A_394 = arith.constant 0 : i32
      %dma_wait3A_395 = tpu.memref_slice %arg5[%rem3A_388, %dma_wait3A_389, %dma_wait3A_394] : memref<4x2x128xi32, #tpu.memory_space<vmem>> -> memref<1x1x128xi32, #tpu.memory_space<vmem>>
      %dma_wait3A_396 = tpu.memref_squeeze %dma_wait3A_395 : memref<1x1x128xi32, #tpu.memory_space<vmem>> -> memref<128xi32, #tpu.memory_space<vmem>>
      %dma_wait3A_397 = arith.constant 0 : i32
      %dma_wait3A_398 = arith.constant 0 : i32
      %dma_wait3A_399 = tpu.memref_slice %arg3[%dma_wait3A_397, %dma_wait3A_398] : memref<2000000x64xf32, #tpu.memory_space<hbm>> -> memref<2000000x64xf32, #tpu.memory_space<hbm>>
      %dma_wait3A_400 = tpu.memref_slice %arg9[%rem3A_386] : memref<2x!tpu.dma_semaphore, #tpu.memory_space<semaphore_mem>> -> memref<1x!tpu.dma_semaphore, #tpu.memory_space<semaphore_mem>>
      %dma_wait3A_401 = tpu.memref_squeeze %dma_wait3A_400 : memref<1x!tpu.dma_semaphore, #tpu.memory_space<semaphore_mem>> -> memref<!tpu.dma_semaphore, #tpu.memory_space<semaphore_mem>>
      tpu.wait_indirect_dma semaphore(%dma_wait3A_401 : memref<!tpu.dma_semaphore, #tpu.memory_space<semaphore_mem>>) src(%dma_wait3A_399 : memref<2000000x64xf32, #tpu.memory_space<hbm>>) dst(%dma_wait3A_393 : memref<128x64xf32, #tpu.memory_space<vmem>>)
      %dma_wait3A_402 = arith.constant 1 : i32
      %dma_wait3A_403 = arith.constant 128 : i32
      %dma_wait3A_404 = arith.constant 0 : i32
      %dma_wait3A_405 = tpu.memref_slice %arg6[%rem3A_386, %dma_wait3A_403, %dma_wait3A_404] : memref<2x256x64xf32, #tpu.memory_space<vmem>> -> memref<1x128x64xf32, #tpu.memory_space<vmem>>
      %dma_wait3A_406 = tpu.memref_squeeze %dma_wait3A_405 : memref<1x128x64xf32, #tpu.memory_space<vmem>> -> memref<128x64xf32, #tpu.memory_space<vmem>>
      %dma_wait3A_407 = arith.constant 0 : i32
      %dma_wait3A_408 = tpu.memref_slice %arg5[%rem3A_388, %dma_wait3A_402, %dma_wait3A_407] : memref<4x2x128xi32, #tpu.memory_space<vmem>> -> memref<1x1x128xi32, #tpu.memory_space<vmem>>
      %dma_wait3A_409 = tpu.memref_squeeze %dma_wait3A_408 : memref<1x1x128xi32, #tpu.memory_space<vmem>> -> memref<128xi32, #tpu.memory_space<vmem>>
      %dma_wait3A_410 = arith.constant 0 : i32
      %dma_wait3A_411 = arith.constant 0 : i32
      %dma_wait3A_412 = tpu.memref_slice %arg3[%dma_wait3A_410, %dma_wait3A_411] : memref<2000000x64xf32, #tpu.memory_space<hbm>> -> memref<2000000x64xf32, #tpu.memory_space<hbm>>
      %dma_wait3A_413 = tpu.memref_slice %arg9[%rem3A_386] : memref<2x!tpu.dma_semaphore, #tpu.memory_space<semaphore_mem>> -> memref<1x!tpu.dma_semaphore, #tpu.memory_space<semaphore_mem>>
      %dma_wait3A_414 = tpu.memref_squeeze %dma_wait3A_413 : memref<1x!tpu.dma_semaphore, #tpu.memory_space<semaphore_mem>> -> memref<!tpu.dma_semaphore, #tpu.memory_space<semaphore_mem>>
      tpu.wait_indirect_dma semaphore(%dma_wait3A_414 : memref<!tpu.dma_semaphore, #tpu.memory_space<semaphore_mem>>) src(%dma_wait3A_412 : memref<2000000x64xf32, #tpu.memory_space<hbm>>) dst(%dma_wait3A_406 : memref<128x64xf32, #tpu.memory_space<vmem>>)
      %add3A_415 = arith.constant 1 : i32
      %add3A_416 = arith.addi %scan3A_384, %add3A_415 : i32
      %lt3A = arith.constant 100 : i32
      %lt3A_417 = arith.cmpi slt, %add3A_416, %lt3A : i32
      %convert_element_type3A = arith.extui %lt3A_417 : i1 to i32
      %cond3A = arith.constant 0 : i32
      %cond3A_418 = arith.cmpi ne, %convert_element_type3A, %cond3A : i32
      scf.if %cond3A_418 {
        %add3A_487 = arith.constant 1 : i32
        %add3A_488 = arith.addi %scan3A_384, %add3A_487 : i32
        %add3A_489 = arith.constant 1 : i32
        %add3A_490 = arith.addi %scan3A_384, %add3A_489 : i32
        %rem3A_491 = arith.constant 4 : i32
        %rem3A_492 = arith.remsi %add3A_490, %rem3A_491 : i32
        %add3A_493 = arith.addi %mul3A_2, %add3A_488 : i32
        %jit3A_494 = arith.constant 16 : i32
        %div3A_495 = arith.divsi %add3A_493, %jit3A_494 : i32
        %sign3A_496 = arith.constant 0 : i32
        %sign3A_497 = arith.cmpi sgt, %add3A_493, %sign3A_496 : i32
        %sign3A_498 = arith.extui %sign3A_497 : i1 to i32
        %sign3A_499 = arith.constant 0 : i32
        %sign3A_500 = arith.cmpi slt, %add3A_493, %sign3A_499 : i32
        %sign3A_501 = arith.extui %sign3A_500 : i1 to i32
        %sign3A_502 = arith.subi %sign3A_498, %sign3A_501 : i32
        %sign3A_503 = arith.constant 0 : i32
        %sign3A_504 = arith.cmpi sgt, %jit3A_494, %sign3A_503 : i32
        %sign3A_505 = arith.extui %sign3A_504 : i1 to i32
        %sign3A_506 = arith.constant 0 : i32
        %sign3A_507 = arith.cmpi slt, %jit3A_494, %sign3A_506 : i32
        %sign3A_508 = arith.extui %sign3A_507 : i1 to i32
        %sign3A_509 = arith.subi %sign3A_505, %sign3A_508 : i32
        %ne3A_510 = arith.cmpi ne, %sign3A_502, %sign3A_509 : i32
        %rem3A_511 = arith.remsi %add3A_493, %jit3A_494 : i32
        %ne3A_512 = arith.constant 0 : i32
        %ne3A_513 = arith.cmpi ne, %rem3A_511, %ne3A_512 : i32
        %and3A_514 = arith.andi %ne3A_510, %ne3A_513 : i1
        %sub3A_515 = arith.constant 1 : i32
        %sub3A_516 = arith.subi %div3A_495, %sub3A_515 : i32
        %select_n3A_517 = arith.select %and3A_514, %sub3A_516, %div3A_495 : i32
        %rem3A_518 = arith.constant 16 : i32
        %rem3A_519 = arith.remsi %add3A_493, %rem3A_518 : i32
        %mul3A_520 = arith.constant 2 : i32
        %mul3A_521 = arith.muli %rem3A_519, %mul3A_520 : i32
        %dma_wait3A_522 = arith.constant 0 : i32
        %dma_wait3A_523 = arith.constant 0 : i32
        %dma_wait3A_524 = tpu.memref_slice %arg5[%rem3A_492, %dma_wait3A_522, %dma_wait3A_523] : memref<4x2x128xi32, #tpu.memory_space<vmem>> -> memref<1x2x128xi32, #tpu.memory_space<vmem>>
        %dma_wait3A_525 = tpu.memref_squeeze %dma_wait3A_524 : memref<1x2x128xi32, #tpu.memory_space<vmem>> -> memref<2x128xi32, #tpu.memory_space<vmem>>
        %dma_wait3A_526 = arith.constant 0 : i32
        %dma_wait3A_527 = tpu.memref_slice %arg2[%select_n3A_517, %mul3A_521, %dma_wait3A_526] : memref<200x32x128xi32, #tpu.memory_space<hbm>> -> memref<1x2x128xi32, #tpu.memory_space<hbm>>
        %dma_wait3A_528 = tpu.memref_squeeze %dma_wait3A_527 : memref<1x2x128xi32, #tpu.memory_space<hbm>> -> memref<2x128xi32, #tpu.memory_space<hbm>>
        %dma_wait3A_529 = tpu.memref_slice %arg8[%rem3A_492] : memref<4x!tpu.dma_semaphore, #tpu.memory_space<semaphore_mem>> -> memref<1x!tpu.dma_semaphore, #tpu.memory_space<semaphore_mem>>
        %dma_wait3A_530 = tpu.memref_squeeze %dma_wait3A_529 : memref<1x!tpu.dma_semaphore, #tpu.memory_space<semaphore_mem>> -> memref<!tpu.dma_semaphore, #tpu.memory_space<semaphore_mem>>
        %dma_wait3A_531 = arith.constant 0 : i32
        %dma_wait3A_532 = arith.constant 0 : i32
        %dma_wait3A_533 = tpu.memref_slice %arg5[%rem3A_492, %dma_wait3A_531, %dma_wait3A_532] : memref<4x2x128xi32, #tpu.memory_space<vmem>> -> memref<1x2x128xi32, #tpu.memory_space<vmem>>
        %dma_wait3A_534 = tpu.memref_squeeze %dma_wait3A_533 : memref<1x2x128xi32, #tpu.memory_space<vmem>> -> memref<2x128xi32, #tpu.memory_space<vmem>>
        %dma_wait3A_535 = arith.constant 0 : i32
        %dma_wait3A_536 = tpu.memref_slice %arg2[%select_n3A_517, %mul3A_521, %dma_wait3A_535] : memref<200x32x128xi32, #tpu.memory_space<hbm>> -> memref<1x2x128xi32, #tpu.memory_space<hbm>>
        %dma_wait3A_537 = tpu.memref_squeeze %dma_wait3A_536 : memref<1x2x128xi32, #tpu.memory_space<hbm>> -> memref<2x128xi32, #tpu.memory_space<hbm>>
        tpu.wait_dma2 semaphore(%dma_wait3A_530 : memref<!tpu.dma_semaphore, #tpu.memory_space<semaphore_mem>>) src(%dma_wait3A_537 : memref<2x128xi32, #tpu.memory_space<hbm>>) dst(%dma_wait3A_534 : memref<2x128xi32, #tpu.memory_space<vmem>>)
        %add3A_538 = arith.constant 1 : i32
        %add3A_539 = arith.addi %scan3A_384, %add3A_538 : i32
        %rem3A_540 = arith.constant 4 : i32
        %rem3A_541 = arith.remsi %add3A_539, %rem3A_540 : i32
        %add3A_542 = arith.constant 1 : i32
        %add3A_543 = arith.addi %scan3A_384, %add3A_542 : i32
        %rem3A_544 = arith.constant 2 : i32
        %rem3A_545 = arith.remsi %add3A_543, %rem3A_544 : i32
        %dma_start3A_546 = arith.constant 0 : i32
        %dma_start3A_547 = arith.constant 0 : i32
        %dma_start3A_548 = arith.constant 0 : i32
        %dma_start3A_549 = tpu.memref_slice %arg6[%rem3A_545, %dma_start3A_547, %dma_start3A_548] : memref<2x256x64xf32, #tpu.memory_space<vmem>> -> memref<1x128x64xf32, #tpu.memory_space<vmem>>
        %dma_start3A_550 = tpu.memref_squeeze %dma_start3A_549 : memref<1x128x64xf32, #tpu.memory_space<vmem>> -> memref<128x64xf32, #tpu.memory_space<vmem>>
        %dma_start3A_551 = arith.constant 0 : i32
        %dma_start3A_552 = tpu.memref_slice %arg5[%rem3A_541, %dma_start3A_546, %dma_start3A_551] : memref<4x2x128xi32, #tpu.memory_space<vmem>> -> memref<1x1x128xi32, #tpu.memory_space<vmem>>
        %dma_start3A_553 = tpu.memref_squeeze %dma_start3A_552 : memref<1x1x128xi32, #tpu.memory_space<vmem>> -> memref<128xi32, #tpu.memory_space<vmem>>
        %dma_start3A_554 = arith.constant 0 : i32
        %dma_start3A_555 = arith.constant 0 : i32
        %dma_start3A_556 = tpu.memref_slice %arg3[%dma_start3A_554, %dma_start3A_555] : memref<2000000x64xf32, #tpu.memory_space<hbm>> -> memref<2000000x64xf32, #tpu.memory_space<hbm>>
        %dma_start3A_557 = tpu.memref_slice %arg9[%rem3A_545] : memref<2x!tpu.dma_semaphore, #tpu.memory_space<semaphore_mem>> -> memref<1x!tpu.dma_semaphore, #tpu.memory_space<semaphore_mem>>
        %dma_start3A_558 = tpu.memref_squeeze %dma_start3A_557 : memref<1x!tpu.dma_semaphore, #tpu.memory_space<semaphore_mem>> -> memref<!tpu.dma_semaphore, #tpu.memory_space<semaphore_mem>>
        tpu.enqueue_indirect_dma source(%dma_start3A_556 : memref<2000000x64xf32, #tpu.memory_space<hbm>>) target(%dma_start3A_550 : memref<128x64xf32, #tpu.memory_space<vmem>>) offsets(%dma_start3A_553 : memref<128xi32, #tpu.memory_space<vmem>>) semaphore(%dma_start3A_558 : memref<!tpu.dma_semaphore, #tpu.memory_space<semaphore_mem>>)
        %dma_start3A_559 = arith.constant 1 : i32
        %dma_start3A_560 = arith.constant 128 : i32
        %dma_start3A_561 = arith.constant 0 : i32
        %dma_start3A_562 = tpu.memref_slice %arg6[%rem3A_545, %dma_start3A_560, %dma_start3A_561] : memref<2x256x64xf32, #tpu.memory_space<vmem>> -> memref<1x128x64xf32, #tpu.memory_space<vmem>>
        %dma_start3A_563 = tpu.memref_squeeze %dma_start3A_562 : memref<1x128x64xf32, #tpu.memory_space<vmem>> -> memref<128x64xf32, #tpu.memory_space<vmem>>
        %dma_start3A_564 = arith.constant 0 : i32
        %dma_start3A_565 = tpu.memref_slice %arg5[%rem3A_541, %dma_start3A_559, %dma_start3A_564] : memref<4x2x128xi32, #tpu.memory_space<vmem>> -> memref<1x1x128xi32, #tpu.memory_space<vmem>>
        %dma_start3A_566 = tpu.memref_squeeze %dma_start3A_565 : memref<1x1x128xi32, #tpu.memory_space<vmem>> -> memref<128xi32, #tpu.memory_space<vmem>>
        %dma_start3A_567 = arith.constant 0 : i32
        %dma_start3A_568 = arith.constant 0 : i32
        %dma_start3A_569 = tpu.memref_slice %arg3[%dma_start3A_567, %dma_start3A_568] : memref<2000000x64xf32, #tpu.memory_space<hbm>> -> memref<2000000x64xf32, #tpu.memory_space<hbm>>
        %dma_start3A_570 = tpu.memref_slice %arg9[%rem3A_545] : memref<2x!tpu.dma_semaphore, #tpu.memory_space<semaphore_mem>> -> memref<1x!tpu.dma_semaphore, #tpu.memory_space<semaphore_mem>>
        %dma_start3A_571 = tpu.memref_squeeze %dma_start3A_570 : memref<1x!tpu.dma_semaphore, #tpu.memory_space<semaphore_mem>> -> memref<!tpu.dma_semaphore, #tpu.memory_space<semaphore_mem>>
        tpu.enqueue_indirect_dma source(%dma_start3A_569 : memref<2000000x64xf32, #tpu.memory_space<hbm>>) target(%dma_start3A_563 : memref<128x64xf32, #tpu.memory_space<vmem>>) offsets(%dma_start3A_566 : memref<128xi32, #tpu.memory_space<vmem>>) semaphore(%dma_start3A_571 : memref<!tpu.dma_semaphore, #tpu.memory_space<semaphore_mem>>)
      } else {
      }
      %ge3A = arith.constant 2 : i32
      %ge3A_419 = arith.cmpi sge, %scan3A_384, %ge3A : i32
      %convert_element_type3A_420 = arith.extui %ge3A_419 : i1 to i32
      %cond3A_421 = arith.constant 0 : i32
      %cond3A_422 = arith.cmpi ne, %convert_element_type3A_420, %cond3A_421 : i32
      scf.if %cond3A_422 {
        %sub3A_487 = arith.constant 2 : i32
        %sub3A_488 = arith.subi %scan3A_384, %sub3A_487 : i32
        %add3A_489 = arith.addi %mul3A_2, %sub3A_488 : i32
        %jit3A_490 = arith.constant 16 : i32
        %div3A_491 = arith.divsi %add3A_489, %jit3A_490 : i32
        %sign3A_492 = arith.constant 0 : i32
        %sign3A_493 = arith.cmpi sgt, %add3A_489, %sign3A_492 : i32
        %sign3A_494 = arith.extui %sign3A_493 : i1 to i32
        %sign3A_495 = arith.constant 0 : i32
        %sign3A_496 = arith.cmpi slt, %add3A_489, %sign3A_495 : i32
        %sign3A_497 = arith.extui %sign3A_496 : i1 to i32
        %sign3A_498 = arith.subi %sign3A_494, %sign3A_497 : i32
        %sign3A_499 = arith.constant 0 : i32
        %sign3A_500 = arith.cmpi sgt, %jit3A_490, %sign3A_499 : i32
        %sign3A_501 = arith.extui %sign3A_500 : i1 to i32
        %sign3A_502 = arith.constant 0 : i32
        %sign3A_503 = arith.cmpi slt, %jit3A_490, %sign3A_502 : i32
        %sign3A_504 = arith.extui %sign3A_503 : i1 to i32
        %sign3A_505 = arith.subi %sign3A_501, %sign3A_504 : i32
        %ne3A_506 = arith.cmpi ne, %sign3A_498, %sign3A_505 : i32
        %rem3A_507 = arith.remsi %add3A_489, %jit3A_490 : i32
        %ne3A_508 = arith.constant 0 : i32
        %ne3A_509 = arith.cmpi ne, %rem3A_507, %ne3A_508 : i32
        %and3A_510 = arith.andi %ne3A_506, %ne3A_509 : i1
        %sub3A_511 = arith.constant 1 : i32
        %sub3A_512 = arith.subi %div3A_491, %sub3A_511 : i32
        %select_n3A_513 = arith.select %and3A_510, %sub3A_512, %div3A_491 : i32
        %rem3A_514 = arith.constant 16 : i32
        %rem3A_515 = arith.remsi %add3A_489, %rem3A_514 : i32
        %mul3A_516 = arith.constant 2 : i32
        %mul3A_517 = arith.muli %rem3A_515, %mul3A_516 : i32
        %dma_wait3A_518 = arith.constant 0 : i32
        %dma_wait3A_519 = arith.constant 0 : i32
        %dma_wait3A_520 = arith.constant 0 : i32
        %dma_wait3A_521 = arith.constant 0 : i32
        %dma_wait3A_522 = tpu.memref_slice %arg7[%rem3A_386, %dma_wait3A_518, %dma_wait3A_519, %dma_wait3A_520, %dma_wait3A_521] : memref<2x8x2x8x129xf32, #tpu.memory_space<vmem>> -> memref<1x8x2x8x128xf32, #tpu.memory_space<vmem>>
        %dma_wait3A_523 = tpu.memref_squeeze %dma_wait3A_522 : memref<1x8x2x8x128xf32, #tpu.memory_space<vmem>> -> memref<8x2x8x128xf32, #tpu.memory_space<vmem>>
        %dma_wait3A_524 = arith.constant 0 : i32
        %dma_wait3A_525 = arith.constant 0 : i32
        %dma_wait3A_526 = arith.constant 0 : i32
        %dma_wait3A_527 = tpu.memref_slice %arg4[%select_n3A_513, %dma_wait3A_524, %mul3A_517, %dma_wait3A_525, %dma_wait3A_526] : memref<200x8x32x8x128xf32, #tpu.memory_space<hbm>> -> memref<1x8x2x8x128xf32, #tpu.memory_space<hbm>>
        %dma_wait3A_528 = tpu.memref_squeeze %dma_wait3A_527 : memref<1x8x2x8x128xf32, #tpu.memory_space<hbm>> -> memref<8x2x8x128xf32, #tpu.memory_space<hbm>>
        %dma_wait3A_529 = tpu.memref_slice %arg10[%rem3A_386] : memref<2x!tpu.dma_semaphore, #tpu.memory_space<semaphore_mem>> -> memref<1x!tpu.dma_semaphore, #tpu.memory_space<semaphore_mem>>
        %dma_wait3A_530 = tpu.memref_squeeze %dma_wait3A_529 : memref<1x!tpu.dma_semaphore, #tpu.memory_space<semaphore_mem>> -> memref<!tpu.dma_semaphore, #tpu.memory_space<semaphore_mem>>
        %dma_wait3A_531 = arith.constant 0 : i32
        %dma_wait3A_532 = arith.constant 0 : i32
        %dma_wait3A_533 = arith.constant 0 : i32
        %dma_wait3A_534 = tpu.memref_slice %arg4[%select_n3A_513, %dma_wait3A_531, %mul3A_517, %dma_wait3A_532, %dma_wait3A_533] : memref<200x8x32x8x128xf32, #tpu.memory_space<hbm>> -> memref<1x8x2x8x128xf32, #tpu.memory_space<hbm>>
        %dma_wait3A_535 = tpu.memref_squeeze %dma_wait3A_534 : memref<1x8x2x8x128xf32, #tpu.memory_space<hbm>> -> memref<8x2x8x128xf32, #tpu.memory_space<hbm>>
        %dma_wait3A_536 = arith.constant 0 : i32
        %dma_wait3A_537 = arith.constant 0 : i32
        %dma_wait3A_538 = arith.constant 0 : i32
        %dma_wait3A_539 = arith.constant 0 : i32
        %dma_wait3A_540 = tpu.memref_slice %arg7[%rem3A_386, %dma_wait3A_536, %dma_wait3A_537, %dma_wait3A_538, %dma_wait3A_539] : memref<2x8x2x8x129xf32, #tpu.memory_space<vmem>> -> memref<1x8x2x8x128xf32, #tpu.memory_space<vmem>>
        %dma_wait3A_541 = tpu.memref_squeeze %dma_wait3A_540 : memref<1x8x2x8x128xf32, #tpu.memory_space<vmem>> -> memref<8x2x8x128xf32, #tpu.memory_space<vmem>>
        tpu.wait_dma2 semaphore(%dma_wait3A_530 : memref<!tpu.dma_semaphore, #tpu.memory_space<semaphore_mem>>) src(%dma_wait3A_541 : memref<8x2x8x128xf32, #tpu.memory_space<vmem>>) dst(%dma_wait3A_535 : memref<8x2x8x128xf32, #tpu.memory_space<hbm>>)
      } else {
      }
      %add3A_423 = vector.broadcast %rem3A_386 : i32 to vector<16xi32>
      %add3A_424 = arith.addi %broadcast_in_dim3A_3, %add3A_423 : vector<16xi32>
      %parallel_loop3A = arith.constant 0 : i32
      %parallel_loop3A_425 = arith.constant 256 : i32
      %parallel_loop3A_426 = arith.constant 1 : i32
      scf.for %parallel_loop3A_487 = %parallel_loop3A to %parallel_loop3A_425 step %parallel_loop3A_426  : i32 {
        %parallel_loop3A_488 = arith.constant 7 : i32
        %parallel_loop3A_489 = arith.shrsi %parallel_loop3A_487, %parallel_loop3A_488 : i32
        %parallel_loop3A_490 = vector.broadcast %parallel_loop3A_489 : i32 to vector<16xi32>
        %parallel_loop3A_491 = arith.addi %broadcast_in_dim3A_3, %parallel_loop3A_490 : vector<16xi32>
        %parallel_loop3A_492 = arith.constant 127 : i32
        %parallel_loop3A_493 = arith.andi %parallel_loop3A_487, %parallel_loop3A_492 : i32
        %parallel_loop3A_494 = vector.broadcast %parallel_loop3A_493 : i32 to vector<16xi32>
        %parallel_loop3A_495 = arith.addi %broadcast_in_dim3A_3, %parallel_loop3A_494 : vector<16xi32>
        %parallel_loop3A_496 = arith.index_cast %rem3A_386 : i32 to index
        %parallel_loop3A_497 = arith.index_cast %parallel_loop3A_487 : i32 to index
        %parallel_loop3A_498 = arith.constant 0 : index
        %parallel_loop3A_499 = tpu.vector_load %arg6[%parallel_loop3A_496, %parallel_loop3A_497, %parallel_loop3A_498] {strides = array<i32>} : memref<2x256x64xf32, #tpu.memory_space<vmem>>, vector<16xf32>,
        %parallel_loop3A_500 = arith.constant 8.000000e+00 : f32
        %parallel_loop3A_501 = vector.broadcast %parallel_loop3A_500 : f32 to vector<16xf32>
        %parallel_loop3A_502 = arith.mulf %parallel_loop3A_499, %parallel_loop3A_501 : vector<16xf32>
        tpu.vector_store_idx %arg7[%add3A_424, %shift_right_arithmetic3A_8, %parallel_loop3A_491, %and3A_31, %parallel_loop3A_495], %parallel_loop3A_502 : memref<2x8x2x8x129xf32, #tpu.memory_space<vmem>>[vector<16xi32>, vector<16xi32>, vector<16xi32>, vector<16xi32>, vector<16xi32>], vector<16xf32>,
        %parallel_loop3A_503 = arith.index_cast %rem3A_386 : i32 to index
        %parallel_loop3A_504 = arith.index_cast %parallel_loop3A_487 : i32 to index
        %parallel_loop3A_505 = arith.constant 16 : index
        %parallel_loop3A_506 = tpu.vector_load %arg6[%parallel_loop3A_503, %parallel_loop3A_504, %parallel_loop3A_505] {strides = array<i32>} : memref<2x256x64xf32, #tpu.memory_space<vmem>>, vector<16xf32>,
        %parallel_loop3A_507 = arith.constant 8.000000e+00 : f32
        %parallel_loop3A_508 = vector.broadcast %parallel_loop3A_507 : f32 to vector<16xf32>
        %parallel_loop3A_509 = arith.mulf %parallel_loop3A_506, %parallel_loop3A_508 : vector<16xf32>
        tpu.vector_store_idx %arg7[%add3A_424, %shift_right_arithmetic3A_14, %parallel_loop3A_491, %and3A_37, %parallel_loop3A_495], %parallel_loop3A_509 : memref<2x8x2x8x129xf32, #tpu.memory_space<vmem>>[vector<16xi32>, vector<16xi32>, vector<16xi32>, vector<16xi32>, vector<16xi32>], vector<16xf32>,
        %parallel_loop3A_510 = arith.index_cast %rem3A_386 : i32 to index
        %parallel_loop3A_511 = arith.index_cast %parallel_loop3A_487 : i32 to index
        %parallel_loop3A_512 = arith.constant 32 : index
        %parallel_loop3A_513 = tpu.vector_load %arg6[%parallel_loop3A_510, %parallel_loop3A_511, %parallel_loop3A_512] {strides = array<i32>} : memref<2x256x64xf32, #tpu.memory_space<vmem>>, vector<16xf32>,
        %parallel_loop3A_514 = arith.constant 8.000000e+00 : f32
        %parallel_loop3A_515 = vector.broadcast %parallel_loop3A_514 : f32 to vector<16xf32>
        %parallel_loop3A_516 = arith.mulf %parallel_loop3A_513, %parallel_loop3A_515 : vector<16xf32>
        tpu.vector_store_idx %arg7[%add3A_424, %shift_right_arithmetic3A_20, %parallel_loop3A_491, %and3A_43, %parallel_loop3A_495], %parallel_loop3A_516 : memref<2x8x2x8x129xf32, #tpu.memory_space<vmem>>[vector<16xi32>, vector<16xi32>, vector<16xi32>, vector<16xi32>, vector<16xi32>], vector<16xf32>,
        %parallel_loop3A_517 = arith.index_cast %rem3A_386 : i32 to index
        %parallel_loop3A_518 = arith.index_cast %parallel_loop3A_487 : i32 to index
        %parallel_loop3A_519 = arith.constant 48 : index
        %parallel_loop3A_520 = tpu.vector_load %arg6[%parallel_loop3A_517, %parallel_loop3A_518, %parallel_loop3A_519] {strides = array<i32>} : memref<2x256x64xf32, #tpu.memory_space<vmem>>, vector<16xf32>,
        %parallel_loop3A_521 = arith.constant 8.000000e+00 : f32
        %parallel_loop3A_522 = vector.broadcast %parallel_loop3A_521 : f32 to vector<16xf32>
        %parallel_loop3A_523 = arith.mulf %parallel_loop3A_520, %parallel_loop3A_522 : vector<16xf32>
        tpu.vector_store_idx %arg7[%add3A_424, %shift_right_arithmetic3A_26, %parallel_loop3A_491, %and3A_49, %parallel_loop3A_495], %parallel_loop3A_523 : memref<2x8x2x8x129xf32, #tpu.memory_space<vmem>>[vector<16xi32>, vector<16xi32>, vector<16xi32>, vector<16xi32>, vector<16xi32>], vector<16xf32>,
      } {sc.loop_unroll_factor = 8 : i64, sc.parallel_access}
      %add3A_427 = arith.addi %mul3A_2, %scan3A_384 : i32
      %jit3A_428 = arith.constant 16 : i32
      %div3A_429 = arith.divsi %add3A_427, %jit3A_428 : i32
      %sign3A_430 = arith.constant 0 : i32
      %sign3A_431 = arith.cmpi sgt, %add3A_427, %sign3A_430 : i32
      %sign3A_432 = arith.extui %sign3A_431 : i1 to i32
      %sign3A_433 = arith.constant 0 : i32
      %sign3A_434 = arith.cmpi slt, %add3A_427, %sign3A_433 : i32
      %sign3A_435 = arith.extui %sign3A_434 : i1 to i32
      %sign3A_436 = arith.subi %sign3A_432, %sign3A_435 : i32
      %sign3A_437 = arith.constant 0 : i32
      %sign3A_438 = arith.cmpi sgt, %jit3A_428, %sign3A_437 : i32
      %sign3A_439 = arith.extui %sign3A_438 : i1 to i32
      %sign3A_440 = arith.constant 0 : i32
      %sign3A_441 = arith.cmpi slt, %jit3A_428, %sign3A_440 : i32
      %sign3A_442 = arith.extui %sign3A_441 : i1 to i32
      %sign3A_443 = arith.subi %sign3A_439, %sign3A_442 : i32
      %ne3A_444 = arith.cmpi ne, %sign3A_436, %sign3A_443 : i32
      %rem3A_445 = arith.remsi %add3A_427, %jit3A_428 : i32
      %ne3A_446 = arith.constant 0 : i32
      %ne3A_447 = arith.cmpi ne, %rem3A_445, %ne3A_446 : i32
      %and3A_448 = arith.andi %ne3A_444, %ne3A_447 : i1
      %sub3A_449 = arith.constant 1 : i32
      %sub3A_450 = arith.subi %div3A_429, %sub3A_449 : i32
      %select_n3A_451 = arith.select %and3A_448, %sub3A_450, %div3A_429 : i32
      %rem3A_452 = arith.constant 16 : i32
      %rem3A_453 = arith.remsi %add3A_427, %rem3A_452 : i32
      %mul3A_454 = arith.constant 2 : i32
      %mul3A_455 = arith.muli %rem3A_453, %mul3A_454 : i32
      %dma_start3A_456 = arith.constant 0 : i32
      %dma_start3A_457 = arith.constant 0 : i32
      %dma_start3A_458 = arith.constant 0 : i32
      %dma_start3A_459 = arith.constant 0 : i32
      %dma_start3A_460 = tpu.memref_slice %arg7[%rem3A_386, %dma_start3A_456, %dma_start3A_457, %dma_start3A_458, %dma_start3A_459] : memref<2x8x2x8x129xf32, #tpu.memory_space<vmem>> -> memref<1x8x2x8x128xf32, #tpu.memory_space<vmem>>
      %dma_start3A_461 = tpu.memref_squeeze %dma_start3A_460 : memref<1x8x2x8x128xf32, #tpu.memory_space<vmem>> -> memref<8x2x8x128xf32, #tpu.memory_space<vmem>>
      %dma_start3A_462 = arith.constant 0 : i32
      %dma_start3A_463 = arith.constant 0 : i32
      %dma_start3A_464 = arith.constant 0 : i32
      %dma_start3A_465 = tpu.memref_slice %arg4[%select_n3A_451, %dma_start3A_462, %mul3A_455, %dma_start3A_463, %dma_start3A_464] : memref<200x8x32x8x128xf32, #tpu.memory_space<hbm>> -> memref<1x8x2x8x128xf32, #tpu.memory_space<hbm>>
      %dma_start3A_466 = tpu.memref_squeeze %dma_start3A_465 : memref<1x8x2x8x128xf32, #tpu.memory_space<hbm>> -> memref<8x2x8x128xf32, #tpu.memory_space<hbm>>
      %dma_start3A_467 = tpu.memref_slice %arg10[%rem3A_386] : memref<2x!tpu.dma_semaphore, #tpu.memory_space<semaphore_mem>> -> memref<1x!tpu.dma_semaphore, #tpu.memory_space<semaphore_mem>>
      %dma_start3A_468 = tpu.memref_squeeze %dma_start3A_467 : memref<1x!tpu.dma_semaphore, #tpu.memory_space<semaphore_mem>> -> memref<!tpu.dma_semaphore, #tpu.memory_space<semaphore_mem>>
      %dma_start3A_469 = arith.constant 0 : i32
      %dma_start3A_470 = arith.constant 0 : i32
      %dma_start3A_471 = arith.constant 0 : i32
      %dma_start3A_472 = tpu.memref_slice %arg4[%select_n3A_451, %dma_start3A_469, %mul3A_455, %dma_start3A_470, %dma_start3A_471] : memref<200x8x32x8x128xf32, #tpu.memory_space<hbm>> -> memref<1x8x2x8x128xf32, #tpu.memory_space<hbm>>
      %dma_start3A_473 = tpu.memref_squeeze %dma_start3A_472 : memref<1x8x2x8x128xf32, #tpu.memory_space<hbm>> -> memref<8x2x8x128xf32, #tpu.memory_space<hbm>>
      %dma_start3A_474 = arith.constant 0 : i32
      %dma_start3A_475 = arith.constant 0 : i32
      %dma_start3A_476 = arith.constant 0 : i32
      %dma_start3A_477 = arith.constant 0 : i32
      %dma_start3A_478 = tpu.memref_slice %arg7[%rem3A_386, %dma_start3A_474, %dma_start3A_475, %dma_start3A_476, %dma_start3A_477] : memref<2x8x2x8x129xf32, #tpu.memory_space<vmem>> -> memref<1x8x2x8x128xf32, #tpu.memory_space<vmem>>
      %dma_start3A_479 = tpu.memref_squeeze %dma_start3A_478 : memref<1x8x2x8x128xf32, #tpu.memory_space<vmem>> -> memref<8x2x8x128xf32, #tpu.memory_space<vmem>>
      tpu.enqueue_dma source(%dma_start3A_479 : memref<8x2x8x128xf32, #tpu.memory_space<vmem>>) target(%dma_start3A_473 : memref<8x2x8x128xf32, #tpu.memory_space<hbm>>) target_semaphore(%dma_start3A_468 : memref<!tpu.dma_semaphore, #tpu.memory_space<semaphore_mem>>)
      %add3A_480 = arith.constant 3 : i32
      %add3A_481 = arith.addi %scan3A_384, %add3A_480 : i32
      %lt3A_482 = arith.constant 100 : i32
      %lt3A_483 = arith.cmpi slt, %add3A_481, %lt3A_482 : i32
      %convert_element_type3A_484 = arith.extui %lt3A_483 : i1 to i32
      %cond3A_485 = arith.constant 0 : i32
      %cond3A_486 = arith.cmpi ne, %convert_element_type3A_484, %cond3A_485 : i32
      scf.if %cond3A_486 {
        %add3A_487 = arith.constant 3 : i32
        %add3A_488 = arith.addi %scan3A_384, %add3A_487 : i32
        %add3A_489 = arith.constant 3 : i32
        %add3A_490 = arith.addi %scan3A_384, %add3A_489 : i32
        %rem3A_491 = arith.constant 4 : i32
        %rem3A_492 = arith.remsi %add3A_490, %rem3A_491 : i32
        %add3A_493 = arith.addi %mul3A_2, %add3A_488 : i32
        %jit3A_494 = arith.constant 16 : i32
        %div3A_495 = arith.divsi %add3A_493, %jit3A_494 : i32
        %sign3A_496 = arith.constant 0 : i32
        %sign3A_497 = arith.cmpi sgt, %add3A_493, %sign3A_496 : i32
        %sign3A_498 = arith.extui %sign3A_497 : i1 to i32
        %sign3A_499 = arith.constant 0 : i32
        %sign3A_500 = arith.cmpi slt, %add3A_493, %sign3A_499 : i32
        %sign3A_501 = arith.extui %sign3A_500 : i1 to i32
        %sign3A_502 = arith.subi %sign3A_498, %sign3A_501 : i32
        %sign3A_503 = arith.constant 0 : i32
        %sign3A_504 = arith.cmpi sgt, %jit3A_494, %sign3A_503 : i32
        %sign3A_505 = arith.extui %sign3A_504 : i1 to i32
        %sign3A_506 = arith.constant 0 : i32
        %sign3A_507 = arith.cmpi slt, %jit3A_494, %sign3A_506 : i32
        %sign3A_508 = arith.extui %sign3A_507 : i1 to i32
        %sign3A_509 = arith.subi %sign3A_505, %sign3A_508 : i32
        %ne3A_510 = arith.cmpi ne, %sign3A_502, %sign3A_509 : i32
        %rem3A_511 = arith.remsi %add3A_493, %jit3A_494 : i32
        %ne3A_512 = arith.constant 0 : i32
        %ne3A_513 = arith.cmpi ne, %rem3A_511, %ne3A_512 : i32
        %and3A_514 = arith.andi %ne3A_510, %ne3A_513 : i1
        %sub3A_515 = arith.constant 1 : i32
        %sub3A_516 = arith.subi %div3A_495, %sub3A_515 : i32
        %select_n3A_517 = arith.select %and3A_514, %sub3A_516, %div3A_495 : i32
        %rem3A_518 = arith.constant 16 : i32
        %rem3A_519 = arith.remsi %add3A_493, %rem3A_518 : i32
        %mul3A_520 = arith.constant 2 : i32
        %mul3A_521 = arith.muli %rem3A_519, %mul3A_520 : i32
        %dma_start3A_522 = arith.constant 0 : i32
        %dma_start3A_523 = arith.constant 0 : i32
        %dma_start3A_524 = tpu.memref_slice %arg5[%rem3A_492, %dma_start3A_522, %dma_start3A_523] : memref<4x2x128xi32, #tpu.memory_space<vmem>> -> memref<1x2x128xi32, #tpu.memory_space<vmem>>
        %dma_start3A_525 = tpu.memref_squeeze %dma_start3A_524 : memref<1x2x128xi32, #tpu.memory_space<vmem>> -> memref<2x128xi32, #tpu.memory_space<vmem>>
        %dma_start3A_526 = arith.constant 0 : i32
        %dma_start3A_527 = tpu.memref_slice %arg2[%select_n3A_517, %mul3A_521, %dma_start3A_526] : memref<200x32x128xi32, #tpu.memory_space<hbm>> -> memref<1x2x128xi32, #tpu.memory_space<hbm>>
        %dma_start3A_528 = tpu.memref_squeeze %dma_start3A_527 : memref<1x2x128xi32, #tpu.memory_space<hbm>> -> memref<2x128xi32, #tpu.memory_space<hbm>>
        %dma_start3A_529 = tpu.memref_slice %arg8[%rem3A_492] : memref<4x!tpu.dma_semaphore, #tpu.memory_space<semaphore_mem>> -> memref<1x!tpu.dma_semaphore, #tpu.memory_space<semaphore_mem>>
        %dma_start3A_530 = tpu.memref_squeeze %dma_start3A_529 : memref<1x!tpu.dma_semaphore, #tpu.memory_space<semaphore_mem>> -> memref<!tpu.dma_semaphore, #tpu.memory_space<semaphore_mem>>
        %dma_start3A_531 = arith.constant 0 : i32
        %dma_start3A_532 = arith.constant 0 : i32
        %dma_start3A_533 = tpu.memref_slice %arg5[%rem3A_492, %dma_start3A_531, %dma_start3A_532] : memref<4x2x128xi32, #tpu.memory_space<vmem>> -> memref<1x2x128xi32, #tpu.memory_space<vmem>>
        %dma_start3A_534 = tpu.memref_squeeze %dma_start3A_533 : memref<1x2x128xi32, #tpu.memory_space<vmem>> -> memref<2x128xi32, #tpu.memory_space<vmem>>
        %dma_start3A_535 = arith.constant 0 : i32
        %dma_start3A_536 = tpu.memref_slice %arg2[%select_n3A_517, %mul3A_521, %dma_start3A_535] : memref<200x32x128xi32, #tpu.memory_space<hbm>> -> memref<1x2x128xi32, #tpu.memory_space<hbm>>
        %dma_start3A_537 = tpu.memref_squeeze %dma_start3A_536 : memref<1x2x128xi32, #tpu.memory_space<hbm>> -> memref<2x128xi32, #tpu.memory_space<hbm>>
        tpu.enqueue_dma source(%dma_start3A_537 : memref<2x128xi32, #tpu.memory_space<hbm>>) target(%dma_start3A_534 : memref<2x128xi32, #tpu.memory_space<vmem>>) target_semaphore(%dma_start3A_530 : memref<!tpu.dma_semaphore, #tpu.memory_space<semaphore_mem>>)
      } else {
      }
    }
    %scan3A_269 = arith.constant 100 : i32
    %rem3A_270 = arith.constant 98 : i32
    %rem3A_271 = arith.constant 2 : i32
    %rem3A_272 = arith.remsi %rem3A_270, %rem3A_271 : i32
    %add3A_273 = arith.constant 98 : i32
    %add3A_274 = arith.addi %mul3A_2, %add3A_273 : i32
    %jit3A_275 = arith.constant 16 : i32
    %div3A_276 = arith.divsi %add3A_274, %jit3A_275 : i32
    %sign3A_277 = arith.constant 0 : i32
    %sign3A_278 = arith.cmpi sgt, %add3A_274, %sign3A_277 : i32
    %sign3A_279 = arith.extui %sign3A_278 : i1 to i32
    %sign3A_280 = arith.constant 0 : i32
    %sign3A_281 = arith.cmpi slt, %add3A_274, %sign3A_280 : i32
    %sign3A_282 = arith.extui %sign3A_281 : i1 to i32
    %sign3A_283 = arith.subi %sign3A_279, %sign3A_282 : i32
    %sign3A_284 = arith.constant 0 : i32
    %sign3A_285 = arith.cmpi sgt, %jit3A_275, %sign3A_284 : i32
    %sign3A_286 = arith.extui %sign3A_285 : i1 to i32
    %sign3A_287 = arith.constant 0 : i32
    %sign3A_288 = arith.cmpi slt, %jit3A_275, %sign3A_287 : i32
    %sign3A_289 = arith.extui %sign3A_288 : i1 to i32
    %sign3A_290 = arith.subi %sign3A_286, %sign3A_289 : i32
    %ne3A_291 = arith.cmpi ne, %sign3A_283, %sign3A_290 : i32
    %rem3A_292 = arith.remsi %add3A_274, %jit3A_275 : i32
    %ne3A_293 = arith.constant 0 : i32
    %ne3A_294 = arith.cmpi ne, %rem3A_292, %ne3A_293 : i32
    %and3A_295 = arith.andi %ne3A_291, %ne3A_294 : i1
    %sub3A_296 = arith.constant 1 : i32
    %sub3A_297 = arith.subi %div3A_276, %sub3A_296 : i32
    %select_n3A_298 = arith.select %and3A_295, %sub3A_297, %div3A_276 : i32
    %rem3A_299 = arith.constant 16 : i32
    %rem3A_300 = arith.remsi %add3A_274, %rem3A_299 : i32
    %mul3A_301 = arith.constant 2 : i32
    %mul3A_302 = arith.muli %rem3A_300, %mul3A_301 : i32
    %dma_wait3A_303 = arith.constant 0 : i32
    %dma_wait3A_304 = arith.constant 0 : i32
    %dma_wait3A_305 = arith.constant 0 : i32
    %dma_wait3A_306 = arith.constant 0 : i32
    %dma_wait3A_307 = tpu.memref_slice %arg7[%rem3A_272, %dma_wait3A_303, %dma_wait3A_304, %dma_wait3A_305, %dma_wait3A_306] : memref<2x8x2x8x129xf32, #tpu.memory_space<vmem>> -> memref<1x8x2x8x128xf32, #tpu.memory_space<vmem>>
    %dma_wait3A_308 = tpu.memref_squeeze %dma_wait3A_307 : memref<1x8x2x8x128xf32, #tpu.memory_space<vmem>> -> memref<8x2x8x128xf32, #tpu.memory_space<vmem>>
    %dma_wait3A_309 = arith.constant 0 : i32
    %dma_wait3A_310 = arith.constant 0 : i32
    %dma_wait3A_311 = arith.constant 0 : i32
    %dma_wait3A_312 = tpu.memref_slice %arg4[%select_n3A_298, %dma_wait3A_309, %mul3A_302, %dma_wait3A_310, %dma_wait3A_311] : memref<200x8x32x8x128xf32, #tpu.memory_space<hbm>> -> memref<1x8x2x8x128xf32, #tpu.memory_space<hbm>>
    %dma_wait3A_313 = tpu.memref_squeeze %dma_wait3A_312 : memref<1x8x2x8x128xf32, #tpu.memory_space<hbm>> -> memref<8x2x8x128xf32, #tpu.memory_space<hbm>>
    %dma_wait3A_314 = tpu.memref_slice %arg10[%rem3A_272] : memref<2x!tpu.dma_semaphore, #tpu.memory_space<semaphore_mem>> -> memref<1x!tpu.dma_semaphore, #tpu.memory_space<semaphore_mem>>
    %dma_wait3A_315 = tpu.memref_squeeze %dma_wait3A_314 : memref<1x!tpu.dma_semaphore, #tpu.memory_space<semaphore_mem>> -> memref<!tpu.dma_semaphore, #tpu.memory_space<semaphore_mem>>
    %dma_wait3A_316 = arith.constant 0 : i32
    %dma_wait3A_317 = arith.constant 0 : i32
    %dma_wait3A_318 = arith.constant 0 : i32
    %dma_wait3A_319 = tpu.memref_slice %arg4[%select_n3A_298, %dma_wait3A_316, %mul3A_302, %dma_wait3A_317, %dma_wait3A_318] : memref<200x8x32x8x128xf32, #tpu.memory_space<hbm>> -> memref<1x8x2x8x128xf32, #tpu.memory_space<hbm>>
    %dma_wait3A_320 = tpu.memref_squeeze %dma_wait3A_319 : memref<1x8x2x8x128xf32, #tpu.memory_space<hbm>> -> memref<8x2x8x128xf32, #tpu.memory_space<hbm>>
    %dma_wait3A_321 = arith.constant 0 : i32
    %dma_wait3A_322 = arith.constant 0 : i32
    %dma_wait3A_323 = arith.constant 0 : i32
    %dma_wait3A_324 = arith.constant 0 : i32
    %dma_wait3A_325 = tpu.memref_slice %arg7[%rem3A_272, %dma_wait3A_321, %dma_wait3A_322, %dma_wait3A_323, %dma_wait3A_324] : memref<2x8x2x8x129xf32, #tpu.memory_space<vmem>> -> memref<1x8x2x8x128xf32, #tpu.memory_space<vmem>>
    %dma_wait3A_326 = tpu.memref_squeeze %dma_wait3A_325 : memref<1x8x2x8x128xf32, #tpu.memory_space<vmem>> -> memref<8x2x8x128xf32, #tpu.memory_space<vmem>>
    tpu.wait_dma2 semaphore(%dma_wait3A_315 : memref<!tpu.dma_semaphore, #tpu.memory_space<semaphore_mem>>) src(%dma_wait3A_326 : memref<8x2x8x128xf32, #tpu.memory_space<vmem>>) dst(%dma_wait3A_320 : memref<8x2x8x128xf32, #tpu.memory_space<hbm>>)
    %rem3A_327 = arith.constant 99 : i32
    %rem3A_328 = arith.constant 2 : i32
    %rem3A_329 = arith.remsi %rem3A_327, %rem3A_328 : i32
    %add3A_330 = arith.constant 99 : i32
    %add3A_331 = arith.addi %mul3A_2, %add3A_330 : i32
    %jit3A_332 = arith.constant 16 : i32
    %div3A_333 = arith.divsi %add3A_331, %jit3A_332 : i32
    %sign3A_334 = arith.constant 0 : i32
    %sign3A_335 = arith.cmpi sgt, %add3A_331, %sign3A_334 : i32
    %sign3A_336 = arith.extui %sign3A_335 : i1 to i32
    %sign3A_337 = arith.constant 0 : i32
    %sign3A_338 = arith.cmpi slt, %add3A_331, %sign3A_337 : i32
    %sign3A_339 = arith.extui %sign3A_338 : i1 to i32
    %sign3A_340 = arith.subi %sign3A_336, %sign3A_339 : i32
    %sign3A_341 = arith.constant 0 : i32
    %sign3A_342 = arith.cmpi sgt, %jit3A_332, %sign3A_341 : i32
    %sign3A_343 = arith.extui %sign3A_342 : i1 to i32
    %sign3A_344 = arith.constant 0 : i32
    %sign3A_345 = arith.cmpi slt, %jit3A_332, %sign3A_344 : i32
    %sign3A_346 = arith.extui %sign3A_345 : i1 to i32
    %sign3A_347 = arith.subi %sign3A_343, %sign3A_346 : i32
    %ne3A_348 = arith.cmpi ne, %sign3A_340, %sign3A_347 : i32
    %rem3A_349 = arith.remsi %add3A_331, %jit3A_332 : i32
    %ne3A_350 = arith.constant 0 : i32
    %ne3A_351 = arith.cmpi ne, %rem3A_349, %ne3A_350 : i32
    %and3A_352 = arith.andi %ne3A_348, %ne3A_351 : i1
    %sub3A_353 = arith.constant 1 : i32
    %sub3A_354 = arith.subi %div3A_333, %sub3A_353 : i32
    %select_n3A_355 = arith.select %and3A_352, %sub3A_354, %div3A_333 : i32
    %rem3A_356 = arith.constant 16 : i32
    %rem3A_357 = arith.remsi %add3A_331, %rem3A_356 : i32
    %mul3A_358 = arith.constant 2 : i32
    %mul3A_359 = arith.muli %rem3A_357, %mul3A_358 : i32
    %dma_wait3A_360 = arith.constant 0 : i32
    %dma_wait3A_361 = arith.constant 0 : i32
    %dma_wait3A_362 = arith.constant 0 : i32
    %dma_wait3A_363 = arith.constant 0 : i32
    %dma_wait3A_364 = tpu.memref_slice %arg7[%rem3A_329, %dma_wait3A_360, %dma_wait3A_361, %dma_wait3A_362, %dma_wait3A_363] : memref<2x8x2x8x129xf32, #tpu.memory_space<vmem>> -> memref<1x8x2x8x128xf32, #tpu.memory_space<vmem>>
    %dma_wait3A_365 = tpu.memref_squeeze %dma_wait3A_364 : memref<1x8x2x8x128xf32, #tpu.memory_space<vmem>> -> memref<8x2x8x128xf32, #tpu.memory_space<vmem>>
    %dma_wait3A_366 = arith.constant 0 : i32
    %dma_wait3A_367 = arith.constant 0 : i32
    %dma_wait3A_368 = arith.constant 0 : i32
    %dma_wait3A_369 = tpu.memref_slice %arg4[%select_n3A_355, %dma_wait3A_366, %mul3A_359, %dma_wait3A_367, %dma_wait3A_368] : memref<200x8x32x8x128xf32, #tpu.memory_space<hbm>> -> memref<1x8x2x8x128xf32, #tpu.memory_space<hbm>>
    %dma_wait3A_370 = tpu.memref_squeeze %dma_wait3A_369 : memref<1x8x2x8x128xf32, #tpu.memory_space<hbm>> -> memref<8x2x8x128xf32, #tpu.memory_space<hbm>>
    %dma_wait3A_371 = tpu.memref_slice %arg10[%rem3A_329] : memref<2x!tpu.dma_semaphore, #tpu.memory_space<semaphore_mem>> -> memref<1x!tpu.dma_semaphore, #tpu.memory_space<semaphore_mem>>
    %dma_wait3A_372 = tpu.memref_squeeze %dma_wait3A_371 : memref<1x!tpu.dma_semaphore, #tpu.memory_space<semaphore_mem>> -> memref<!tpu.dma_semaphore, #tpu.memory_space<semaphore_mem>>
    %dma_wait3A_373 = arith.constant 0 : i32
    %dma_wait3A_374 = arith.constant 0 : i32
    %dma_wait3A_375 = arith.constant 0 : i32
    %dma_wait3A_376 = tpu.memref_slice %arg4[%select_n3A_355, %dma_wait3A_373, %mul3A_359, %dma_wait3A_374, %dma_wait3A_375] : memref<200x8x32x8x128xf32, #tpu.memory_space<hbm>> -> memref<1x8x2x8x128xf32, #tpu.memory_space<hbm>>
    %dma_wait3A_377 = tpu.memref_squeeze %dma_wait3A_376 : memref<1x8x2x8x128xf32, #tpu.memory_space<hbm>> -> memref<8x2x8x128xf32, #tpu.memory_space<hbm>>
    %dma_wait3A_378 = arith.constant 0 : i32
    %dma_wait3A_379 = arith.constant 0 : i32
    %dma_wait3A_380 = arith.constant 0 : i32
    %dma_wait3A_381 = arith.constant 0 : i32
    %dma_wait3A_382 = tpu.memref_slice %arg7[%rem3A_329, %dma_wait3A_378, %dma_wait3A_379, %dma_wait3A_380, %dma_wait3A_381] : memref<2x8x2x8x129xf32, #tpu.memory_space<vmem>> -> memref<1x8x2x8x128xf32, #tpu.memory_space<vmem>>
    %dma_wait3A_383 = tpu.memref_squeeze %dma_wait3A_382 : memref<1x8x2x8x128xf32, #tpu.memory_space<vmem>> -> memref<8x2x8x128xf32, #tpu.memory_space<vmem>>
    tpu.wait_dma2 semaphore(%dma_wait3A_372 : memref<!tpu.dma_semaphore, #tpu.memory_space<semaphore_mem>>) src(%dma_wait3A_383 : memref<8x2x8x128xf32, #tpu.memory_space<vmem>>) dst(%dma_wait3A_377 : memref<8x2x8x128xf32, #tpu.memory_space<hbm>>)
    return
  }
}

</mosaic_0001>

<sc_bundles>
// kernel: kernel.3.cloned.1.call-start
scs
__scs_entry_jumppad:
0x0: {  	(pc) =	sbr.rel $0x88, $3  }
0x1: {  	(tag) =	ssettag $0x0;
	lr =	simm.s32 $0x1  }
0x2: {  	[smem:$0x3F9F] =	sst lr;
	_ =	strace $0xD0000000  }
0x3: {  	_ = 	snop  }
0x4: {  	_ = 	snop  }
0x5: {  	_ = 	snop  }
0x6: {  	_ = 	snop  }
0x7: {  	_ = 	snop  }
__scs_overlays_trampoline_lowered:
0x8: {  	[smem:$0x3FAE] =	sst s0  }
0x9: {  	[smem:$0x3FAF] =	sst s1  }
0xa: {  	[smem:$0x3FB0] =	sst s2  }
0xb: {  	[smem:$0x3FB1] =	sst s3  }
0xc: {  	[smem:$0x3FB2] =	sst s4  }
0xd: {  	[smem:$0x3FB3] =	sst s5  }
0xe: {  	[smem:$0x3FB4] =	sst s6  }
0xf: {  	[smem:$0x3FB5] =	sst s7  }
0x10: {  	[smem:$0x3FB6] =	sst s8  }
0x11: {  	[smem:$0x3FB7] =	sst s9;
	s0 =	simm.s32 @!p0 $0x0  }
0x12: {  	s1 =	sld [smem:$0x3F9D];
	s0 =	simm.s32 @p0 $0x1  }
0x13: {  	[smem:$0x3FB8] =	sst s0;
	s0 =	simm.s32 @!p1 $0x0  }
0x14: {  	s2 =	sld [smem:$0x3F9C];
	s0 =	simm.s32 @p1 $0x1  }
0x15: {  	[smem:$0x3FB9] =	sst s0;
	s0 =	simm.s32 @!p2 $0x0  }
0x16: {  	s3 =	sld [smem:$0x3FDB];
	s0 =	simm.s32 @p2 $0x1  }
0x17: {  	s4 =	simm.s32 $0x1BF5;
	[smem:$0x3FBB] =	sst s0  }
0x18: {  	s0 =	sld [smem:$0x3F9E];
	_ =	swait.ge [sflag:s4], $0x0  }
0x19: {  	s7 =	sld [smem:$0x3F9F]  }
0x1a: {  	s8 =	sadd.s32 $0xFFFFE003, lr  }
0x1b: {  	s9 =	sadd.s32 $0xFFFFFEF7, lr;
	s5 =	simm.s32 $0xFFFFFFFF;
	p2 =	slt.u32 s8, $0xFFFFF086  }
0x1c: {  	p1 =	slt.u32 s9, $0xF7A;
	s5 =	simm.s32 @!p2 $0x0  }
0x1d: {  	s5 =	simm.s32 @p1 $0x1;
	p0 =	seq.s32 s7, s2  }
0x1e: {  	s7 =	smul.u32 @!p0 $0xF7A, s2;
	p2 =	seq.s32 @!p0 s5, $0x0  }
0x1f: {  	s9 =	smul.u32 $0xF7A, s1;
	s8 =	simm.s32 @!p0 $0x1BF5;
	p2 =	por !p2, p0  }
0x20: {  	[sflag:s8] =	ssyncset.s32 @!p0 $0xFFFFF086;
	s6 =	sadd.s32 @!p0 s3, s7;
	s7 =	simm.s32 @!p0 $0x108  }
0x21: {  	s3 =	sadd.s32 s3, s9;
	s6 =	sadd.s32 @!p0 $0x88, s6;
	s7 =	simm.s32 @p2 $0x1082  }
0x22: {  	[simem:s7], [sflag:s8] =	dma.local @!p0 [hbm:s6], $0xF7A  }
0x23: {  	s9 =	sor.u32 $0xD0000000, s2;
	s6 =	simm.s32 $0x108;
	_ =	swait.ge @!p0 [sflag:s8], $0x0  }
0x24: {  	s3 =	sadd.s32 $0x88, s3;
	s6 =	simm.s32 @!p1 $0x1082;
	[sflag:s4] =	ssyncset.s32 $0xFFFFF086  }
0x25: {  	[simem:s6], [sflag:s4] =	dma.local [hbm:s3], $0xF7A  }
0x26: {  	[smem:$0x3F9F] =	sst s1;
	(tag) =	ssettag s2;
	_ =	strace s9  }
0x27: {  	s1 =	sld [smem:$0x3FAF]  }
0x28: {  	s2 =	sld [smem:$0x3FB0]  }
0x29: {  	s4 =	sld [smem:$0x3FB2]  }
0x2a: {  	p0 =	seq.s32 s5, $0x0;
	s5 =	sld [smem:$0x3FB3]  }
0x2b: {  	s6 =	sld [smem:$0x3FB4]  }
0x2c: {  	s7 =	sld [smem:$0x3FB5]  }
0x2d: {  	s3 =	simm.s32 $0x108;
	s8 =	sld [smem:$0x3FB6]  }
0x2e: {  	s3 =	simm.s32 @!p0 $0x1082;
	s9 =	sld [smem:$0x3FB7]  }
0x2f: {  	lr =	sadd.s32 s0, s3;
	s0 =	sld [smem:$0x3FAE]  }
0x30: {  	s3 =	sld [smem:$0x3FB1]  }
0x31: {  	[smem:$0x3FBA] =	sst s10  }
0x32: {  	s10 =	sld [smem:$0x3FB8];
	_ =	sdelay $0x3  }
0x33: {  	p0 =	seq.s32 s10, $0x1;
	s10 =	sld [smem:$0x3FBA];
	_ =	sdelay $0x3  }
0x34: {  	[smem:$0x3FBA] =	sst s10  }
0x35: {  	s10 =	sld [smem:$0x3FB9];
	_ =	sdelay $0x3  }
0x36: {  	p1 =	seq.s32 s10, $0x1;
	s10 =	sld [smem:$0x3FBA];
	_ =	sdelay $0x3  }
0x37: {  	[smem:$0x3FBA] =	sst s10  }
0x38: {  	s10 =	sld [smem:$0x3FBB]  }
0x39: {  	_ = 	snop;
	(pc) =	sbr.ind lr, $3  }
0x3a: {  	_ = 	snop  }
0x3b: {  	_ = 	snop  }
0x3c: {  	p2 =	seq.s32 s10, $0x1;
	s10 =	sld [smem:$0x3FBA]  }
0x3d: {  	_ =	shalt  }
0x3e: {  	_ =	shalt  }
0x3f: {  	_ =	shalt  }
0x40: {  	_ =	shalt  }
0x41: {  	_ =	shalt  }
0x42: {  	_ =	shalt  }
0x43: {  	_ =	shalt  }
0x44: {  	_ =	shalt  }
0x45: {  	_ =	shalt  }
0x46: {  	_ =	shalt  }
0x47: {  	_ =	shalt  }
0x48: {  	_ =	shalt  }
0x49: {  	_ =	shalt  }
0x4a: {  	_ =	shalt  }
0x4b: {  	_ =	shalt  }
0x4c: {  	_ =	shalt  }
0x4d: {  	_ =	shalt  }
0x4e: {  	_ =	shalt  }
0x4f: {  	_ =	shalt  }
0x50: {  	_ =	shalt  }
0x51: {  	_ =	shalt  }
0x52: {  	_ =	shalt  }
0x53: {  	_ =	shalt  }
0x54: {  	_ =	shalt  }
0x55: {  	_ =	shalt  }
0x56: {  	_ =	shalt  }
0x57: {  	_ =	shalt  }
0x58: {  	_ =	shalt  }
0x59: {  	_ =	shalt  }
0x5a: {  	_ =	shalt  }
0x5b: {  	_ =	shalt  }
0x5c: {  	_ =	shalt  }
0x5d: {  	_ =	shalt  }
0x5e: {  	_ =	shalt  }
0x5f: {  	_ =	shalt  }
0x60: {  	_ =	shalt  }
0x61: {  	_ =	shalt  }
0x62: {  	_ =	shalt  }
0x63: {  	_ =	shalt  }
0x64: {  	_ =	shalt  }
0x65: {  	_ =	shalt  }
0x66: {  	_ =	shalt  }
0x67: {  	_ =	shalt  }
0x68: {  	_ =	shalt  }
0x69: {  	_ =	shalt  }
0x6a: {  	_ =	shalt  }
0x6b: {  	_ =	shalt  }
0x6c: {  	_ =	shalt  }
0x6d: {  	_ =	shalt  }
0x6e: {  	_ =	shalt  }
0x6f: {  	_ =	shalt  }
0x70: {  	_ =	shalt  }
0x71: {  	_ =	shalt  }
0x72: {  	_ =	shalt  }
0x73: {  	_ =	shalt  }
0x74: {  	_ =	shalt  }
0x75: {  	_ =	shalt  }
0x76: {  	_ =	shalt  }
0x77: {  	_ =	shalt  }
0x78: {  	_ =	shalt  }
0x79: {  	_ =	shalt  }
0x7a: {  	_ =	shalt  }
0x7b: {  	_ =	shalt  }
0x7c: {  	_ =	shalt  }
0x7d: {  	_ =	shalt  }
0x7e: {  	_ =	shalt  }
0x7f: {  	_ =	shalt  }
0x80: {  	_ =	shalt  }
0x81: {  	_ =	shalt  }
0x82: {  	_ =	shalt  }
0x83: {  	_ =	shalt  }
0x84: {  	_ =	shalt  }
0x85: {  	_ =	shalt  }
0x86: {  	_ =	shalt  }
0x87: {  	_ =	shalt  }
.Lfunc_end0:
.L_simem_size_0:
called_computation.1_lowered:
.L_overlay_start_0:
0x88: {  	s2 =	sld [smem:$0x3FD9]  }
0x89: {  	s3 =	sld [smem:$0x3FFE];
	_ =	sdelay $0x1  }
0x8a: {  	s1 =	srdreg.scid  }
0x8b: {  	s0 =	sand.u32 $0x1, s1  }
0x8c: {  	s17 =	sshll.u32 s0, $0xA;
	s2 =	sadd.s32 s3, s2  }
0x8d: {  	s2 =	sadd.s32 s2, s17  }
0x8e: {  	[smem:$0x3FC6] =	sst s2  }
0x8f: {  	_ = 	snop  }
0x90: {  	s2 =	sld [smem:$0x3FD0];
	(tm) =	ssettm $0x1  }
0x91: {  	s18 =	sld [smem:$0x3FFB];
	_ =	sdelay $0x3  }
0x92: {  	_ =	strace s18  }
0x93: {  	s3 =	sld [smem:$0x3FFC];
	_ =	sdelay $0x3  }
0x94: {  	_ =	strace s3  }
0x95: {  	s3 =	sld [smem:$0x3FFD];
	_ =	sdelay $0x3  }
0x96: {  	_ =	strace s3  }
0x97: {  	_ =	strace $0x8FFFFFFF  }
0x98: {  	s19 =	sld [smem:$0x3FDB];
	_ =	sdelay $0x1  }
0x99: {  	s4 =	simm.s32 $_scs_section_size  }
0x9a: {  	s5 =	simm.s32 $_size__tile_overlayer_lowered;
	s6 =	simm.s32 $_tile_overlayer_lowered  }
0x9b: {  	s22 =	simm.s32 $0x1BFF;
	s21 =	sshll.u32 s6, $0x1;
	s3 =	sadd.s32 s4, s19  }
0x9c: {  	s7 =	simm.s32 $0x0;
	s20 =	sshll.u32 s5, $0x1;
	s5 =	sadd.s32 s21, s3  }
0x9d: {  	[timem:s7], [sflag:s22] =	dma.local [hbm:s5], s20  }
0x9e: {  	_ =	swait.ge [sflag:s22], s20  }
0x9f: {  	s4 =	ssub.s32 $0x0, s20;
	[sflag:s22] =	ssyncset.done $0x0  }
0xa0: {  	[sflag:s22] =	ssyncadd.s32 s4;
	_ =	sdelay $0x1  }
0xa1: {  	s23 =	simm.s32 $0x1B8B  }
0xa2: {  	_ =	swait.ge [sflag:s23], $0x1  }
0xa3: {  	[sflag:s23] =	ssyncset.done $0x0  }
0xa4: {  	s25 =	simm.s32 $0x1B8E;
	s24 =	sld [smem:$0x3FFE];
	[sflag:s23] =	ssyncadd.s32 $0xFFFFFFFF  }
0xa5: {  	s26 =	simm.s32 $execute0_lowered;
	[smem:$0x3FD2] =	sst s25  }
0xa6: {  	s5 =	sshll.u32 s26, $0x1;
	_ =	strace $0x80000049;
	[dreg:$0x1] =	wrdreg $0xFFFFFFFF  }
0xa7: {  	s28 =	simm.s32 $_size_execute0_lowered;
	s3 =	sadd.s32 s3, s5;
	[dreg:$0x0] =	wrdreg $0x0  }
0xa8: {  	s5 =	sshll.u32 s28, $0x1;
	[dreg:$0x2] =	wrdreg s3  }
0xa9: {  	[dreg:$0x3] =	wrdreg s5  }
0xaa: {  	[dreg:$0x4] =	wrdreg $0xC0  }
0xab: {  	_ =	task [dreg:s7], $0x5FFFF  }
0xac: {  	[dreg:$0x1] =	wrdreg $0xFFFFFFFF  }
0xad: {  	[dreg:$0x0] =	wrdreg $0x60  }
0xae: {  	[dreg:$0x2] =	wrdreg s24  }
0xaf: {  	[dreg:$0x3] =	wrdreg s2  }
0xb0: {  	[dreg:$0x4] =	wrdreg $0x9  }
0xb1: {  	_ =	task.clear_ibuf [dreg:s7], $0x5FFFF;
	_ =	strace $0x90000049  }
0xb2: {  	s29 =	simm.s32 $0x9;
	_ =	strace $0x8000004B  }
0xb3: {  	_ =	swait.ge [sflag:s29], $0x1  }
0xb4: {  	[sflag:s29] =	ssyncadd.s32 $0xFFFFFFFF  }
0xb5: {  	_ =	strace $0x9000004B  }
0xb6: {  	_ =	sfence  }
0xb7: {  	s30 =	sld [smem:$0x0];
	_ =	sdelay $0x2  }
0xb8: {  	s31 =	sshll.u32 s1, $0xD;
	s1 =	sshrl.u32 s1, $0x2  }
0xb9: {  	s3 =	sand.u32 $0x4000, s31;
	s1 =	sadd.s32 s1, s30  }
0xba: {  	s0 =	sor.u32 s3, s0;
	s1 =	sshll.u32 s1, $0x11  }
0xbb: {  	s0 =	sor.u32 s1, s0  }
0xbc: {  	s0 =	sadd.s32 $0x8F2B, s0  }
0xbd: {  	[sflag:s0] =	ssyncadd.remote.s32 $0x1  }
0xbe: {  	_ =	sfence.sel $0xFFFF  }
0xbf: {  	[dreg:$0x0] =	wrdreg $0xFFFFFFFF;
	(pc) =	sbr.abs _section_cstart, $3  }
0xc0: {  	[dreg:$0x1] =	wrdreg $0xFFFFFFFF  }
0xc1: {  	_ =	task.clear_ibuf [dreg:s7], $0x2FFFF;
	_ =	strace $0x9FFFFFFF  }
0xc2: {  	(tm) =	ssettm $0x7FFFFFFF  }
0xc3: {  	_ =	shalt  }
tec
execute0_lowered:
.L_overlay_start_1:
0x0: {  	(tag) =	ssettag $0x1  }
0x1: {  	v0 =	vimm.s32 $0xC38;
	vm0 =	vcmask $0x300;
	vm14 =	vcmask $0x704  }
0x2: {  	vm13 =	vcmask $0xB08;
	vm12 =	vcmask $0xF0C;
	vm11 =	vcmask $0x1310  }
0x3: {  	vm10 =	vcmask $0x1714;
	vm9 =	vcmask $0x1B18;
	vm8 =	vcmask $0x1F1C  }
0x4: {  	vm7 =	vcmask $0x2320;
	vm6 =	vcmask $0x2724;
	vm5 =	vcmask $0x2B28  }
0x5: {  	vm4 =	vcmask $0x2F2C;
	vm3 =	vcmask $0x3330;
	vm2 =	vcmask $0x3734  }
0x6: {  	vm1 =	vcmask $0x3B38;
	v1 =	vimm.s32 $0x1D38;
	v2 =	vimm.s32 $0x2E38  }
0x7: {  	v3 =	vimm.s32 $0x3F38;
	v4 =	vimm.s32 $0x0;
	v0 =	vsel vm0, $0x0, v0  }
0x8: {  	v1 =	vsel vm0, $0x1100, v1;
	v2 =	vsel vm0, $0x2200, v2;
	v3 =	vsel vm0, $0x3300, v3  }
0x9: {  	v4 =	vsel vm0, $0x3, v4;
	v0 =	vsel vm14, $0x88, v0;
	v1 =	vsel vm14, $0x1188, v1  }
0xa: {  	v2 =	vsel vm14, $0x2288, v2;
	v3 =	vsel vm14, $0x3388, v3;
	v0 =	vsel vm13, $0x110, v0  }
0xb: {  	v1 =	vsel vm13, $0x1210, v1;
	v2 =	vsel vm13, $0x2310, v2;
	v3 =	vsel vm13, $0x3410, v3  }
0xc: {  	v0 =	vsel vm12, $0x198, v0;
	v1 =	vsel vm12, $0x1298, v1;
	v2 =	vsel vm12, $0x2398, v2  }
0xd: {  	v3 =	vsel vm12, $0x3498, v3;
	v0 =	vsel vm11, $0x220, v0;
	v1 =	vsel vm11, $0x1320, v1  }
0xe: {  	v2 =	vsel vm11, $0x2420, v2;
	v3 =	vsel vm11, $0x3520, v3;
	v0 =	vsel vm10, $0x2A8, v0  }
0xf: {  	s1 =	srdreg.scid;
	v1 =	vsel vm10, $0x13A8, v1;
	v2 =	vsel vm10, $0x24A8, v2;
	v3 =	vsel vm10, $0x35A8, v3  }
0x10: {  	s0 =	stileid.u32;
	s5 =	rddreg [dreg:$0x0];
	v0 =	vsel vm9, $0x330, v0;
	v1 =	vsel vm9, $0x1430, v1;
	v2 =	vsel vm9, $0x2530, v2  }
0x11: {  	s3 =	simm.s32 $0x0;
	s11 =	simm.s32 $0x100;
	s12 =	simm.s32 $0x200;
	v3 =	vsel vm9, $0x3630, v3;
	v0 =	vsel vm8, $0x3B8, v0;
	v1 =	vsel vm8, $0x14B8, v1  }
0x12: {  	s13 =	simm.s32 $0x1;
	s14 =	simm.s32 $0x80;
	s15 =	simm.s32 $0x400;
	v2 =	vsel vm8, $0x25B8, v2;
	v3 =	vsel vm8, $0x36B8, v3;
	v0 =	vsel vm7, $0x880, v0  }
0x13: {  	s16 =	simm.s32 $0x2400;
	s1 =	sand.u32 $0x1, s1;
	s2 =	sshll.u32 s0, $0x1;
	v1 =	vsel vm7, $0x1980, v1;
	v2 =	vsel vm7, $0x2A80, v2;
	v3 =	vsel vm7, $0x3B80, v3  }
0x14: {  	s17 =	simm.s32 $0x8400;
	s18 =	simm.s32 $0x7;
	s7 =	sor.u32 s1, s2;
	v0 =	vsel vm6, $0x908, v0;
	v1 =	vsel vm6, $0x1A08, v1;
	v2 =	vsel vm6, $0x2B08, v2  }
0x15: {  	s19 =	simm.s32 $0x8;
	[smem:$0x7FF] =	sst s3;
	s4 =	smul.u32 $0x6400, s7;
	v3 =	vsel vm6, $0x3C08, v3;
	v0 =	vsel vm5, $0x990, v0;
	v1 =	vsel vm5, $0x1A90, v1  }
0x16: {  	s20 =	simm.s32 $0x0;
	s2 =	rddreg [dreg:$0x1];
	s6 =	sshll.u32 s7, $0xA;
	v2 =	vsel vm5, $0x2B90, v2;
	v3 =	vsel vm5, $0x3C90, v3;
	v0 =	vsel vm4, $0xA18, v0  }
0x17: {  	s1 =	ssub.s32 $0x2, s1;
	s6 =	sand.u32 $0xC00, s6;
	s4 =	sand.u32 $0xFF000, s4;
	v1 =	vsel vm4, $0x1B18, v1;
	v2 =	vsel vm4, $0x2C18, v2;
	v3 =	vsel vm4, $0x3D18, v3  }
0x18: {  	_ =	strace $0x8000004A;
	s8 =	sshrl.u32 s1, $0x1;
	s6 =	sor.u32 s6, s4;
	v0 =	vsel vm3, $0xAA0, v0;
	v1 =	vsel vm3, $0x1BA0, v1;
	v2 =	vsel vm3, $0x2CA0, v2  }
0x19: {  	s1 =	ssub.s32 s1, s8;
	s4 =	sadd.s32 $0xF42E00, s5;
	s6 =	sshrl.u32 s6, $0x3;
	v3 =	vsel vm3, $0x3DA0, v3;
	v0 =	vsel vm2, $0xB28, v0;
	v1 =	vsel vm2, $0x1C28, v1  }
0x1a: {  	s7 =	smul.u32 $0x64, s7;
	s10 =	smax.u32 s1, $0x1;
	s6 =	sadd.s32 s4, s6;
	v2 =	vsel vm2, $0x2D28, v2;
	v3 =	vsel vm2, $0x3E28, v3;
	v0 =	vsel vm1, $0xBB0, v0  }
0x1b: {  	s5 =	sadd.s32 $0xF5BE00, s5;
	s8 =	sadd.s32 $0x20, s6;
	s9 =	sadd.s32 $0x40, s6;
	v1 =	vsel vm1, $0x1CB0, v1;
	v2 =	vsel vm1, $0x2DB0, v2;
	v3 =	vsel vm1, $0x3EB0, v3  }
.LBB2_1:
0x1c: {  	[tilespmem:s3], [sflag:$0x1] =	stream.linear.gather [hbm4b:s6+s3], $0x100, $0x38;
	[tilespmem:$0x10C00] =	vst v63  }
0x1d: {  	_ = 	snop  }
0x1e: {  	[tilespmem:s11], [sflag:$0x2] =	stream.linear.gather [hbm4b:s8+s3], $0x100, $0x38;
	[tilespmem:$0x10C00] =	vst v63  }
0x1f: {  	_ = 	snop  }
0x20: {  	[tilespmem:s12], [sflag:$0x3] =	stream.linear.gather [hbm4b:s9+s3], $0x100, $0x38;
	[tilespmem:$0x10C00] =	vst v63  }
0x21: {  	_ =	swait.ge [sflag:s13], $0x100  }
0x22: {  	[sflag:s13] =	ssyncset.done $0x0  }
0x23: {  	[sflag:s13] =	ssyncadd.s32 $0xFFFFFF00  }
0x24: {  	[tilespmem:s15], [sflag:$0x5] =	stream.indirect.gather [hbm4b:s5+s14], $0x40, s3, s14, $0xb8;
	[tilespmem:$0x10C00] =	vst v63  }
0x25: {  	p0 =	por $0x0, $0x0;
	s22 =	simm.s32 $0x0  }
0x26: {  	[tilespmem:s16], [sflag:$0x5] =	stream.indirect.gather [hbm4b:s5+s14], $0x40, s14, s14, $0xb8;
	[tilespmem:$0x10C00] =	vst v63  }
.LBB2_2:
0x27: {  	s24 =	sand.u32 $0x1, s22  }
0x28: {  	s1 =	sadd.s32 $0x5, s24  }
0x29: {  	_ =	swait.ge [sflag:s1], $0x2000  }
0x2a: {  	[sflag:s1] =	ssyncset.done $0x0  }
0x2b: {  	[sflag:s1] =	ssyncadd.s32 $0xFFFFE000  }
0x2c: {  	s21 =	sadd.s32 $0x1, s22;
	p1 =	seq.s32 s22, $0x63;
	_ =	swait.ge [sflag:s1], $0x2000  }
0x2d: {  	s23 =	sand.u32 @!p1 $0x3, s21;
	[sflag:s1] =	ssyncset.done $0x0  }
0x2e: {  	[sflag:s1] =	ssyncadd.s32 $0xFFFFE000;
	s1 =	sadd.s32 @!p1 $0x1, s23  }
0x2f: {  	s25 =	sand.u32 @!p1 $0x1, s21;
	s28 =	simm.s32 @!p1 $0x80;
	_ =	swait.ge @!p1 [sflag:s1], $0x100  }
0x30: {  	s26 =	sshll.u32 @!p1 s25, $0xE;
	s25 =	sadd.s32 @!p1 $0x5, s25;
	[sflag:s1] =	ssyncset.done @!p1 $0x0  }
0x31: {  	s23 =	sshll.u32 @!p1 s23, $0x8;
	[sflag:s1] =	ssyncadd.s32 @!p1 $0xFFFFFF00;
	s1 =	sor.u32 @!p1 $0x400, s26  }
0x32: {  	[tilespmem:s1], [sflag:s25] =	stream.indirect.gather @!p1 [hbm4b:s5+s28], $0x40, s23, s28, $0xb8;
	[tilespmem:$0x10C00] =	vst v63  }
0x33: {  	v5 =	vmov s24;
	s1 =	sor.u32 @!p1 $0x2400, s26;
	s23 =	sor.u32 @!p1 $0x80, s23;
	s26 =	simm.s32 $0x0  }
0x34: {  	v5 =	vmul.u32 $0x4400, v5;
	[tilespmem:s1], [sflag:s25] =	stream.indirect.gather @!p1 [hbm4b:s5+s28], $0x40, s23, s28, $0xb8;
	[tilespmem:$0x10C00] =	vst v63  }
0x35: {  	p2 =	slt.u32 @!p1 s22, $0x2;
	v10 =	vmov s26;
	s1 =	simm.s32 $0x1  }
0x36: {  	v8 =	vbroadcast v5, $0x0;
	p1 =	por p1, !p2;
	s23 =	sadd.s32 $0x7, s24;
	v10 =	vmul.u32 $0x440, v10;
	s1 =	simm.s32 @!p0 $0x0  }
0x37: {  	s25 =	simm.s32 $0x0;
	_ =	swait.ge @p1 [sflag:s23], $0x4000;
	s29 =	smul.u32 $0x11000, s1  }
0x38: {  	s31 =	simm.s32 $0x1;
	v5 =	vadd.s32 v0, v8;
	s0 =	sand.u32 $0x78, s25;
	[sflag:s23] =	ssyncset.done @p1 $0x0;
	v10 =	vbroadcast v10, $0x0  }
0x39: {  	v6 =	vadd.s32 v1, v8;
	v7 =	vadd.s32 v2, v8;
	s1 =	sshll.u32 s1, $0xE;
	v12 =	vmov s0;
	s0 =	simm.s32 $0x4;
	s30 =	sshrl.u32 s29, $0x2  }
0x3a: {  	v8 =	vadd.s32 v3, v8;
	[sflag:s23] =	ssyncadd.s32 @p1 $0xFFFFC000;
	v12 =	vshrl.u32 v12, $0x3;
	s29 =	simm.s32 $0x7;
	v20 =	vadd.s32 v5, v10;
	s24 =	sadd.s32 $0x8400, s30  }
0x3b: {  	v12 =	vshll.u32 v12, v4;
	v27 =	vadd.s32 v6, v10;
	v32 =	vadd.s32 v7, v10;
	s28 =	sand.u32 $0x78, s29;
	[dreg:$0x3] =	wrdreg s24;
	s24 =	sor.u32 $0x500, s1  }
0x3c: {  	v45 =	vadd.s32 v8, v10;
	v22 =	vbroadcast v12, $0x0;
	s1 =	sand.u32 $0x78, s31;
	v13 =	vmov s28;
	s28 =	sand.u32 $0x78, s0;
	v9 =	vld [tilespmem:s24+$0xFFFFFF80]  }
0x3d: {  	s30 =	simm.s32 $0x2;
	s31 =	simm.s32 $0x6;
	v11 =	vmov s1;
	v13 =	vshrl.u32 v13, $0x3;
	v16 =	vmov s28  }
0x3e: {  	s29 =	sand.u32 $0x78, s31;
	s31 =	sand.u32 $0x78, s30;
	v17 =	vld [tilespmem:s24+$0x0];
	v25 =	vadd.s32 v22, v20;
	v43 =	vadd.s32 v22, v27;
	v11 =	vshrl.u32 v11, $0x3  }
0x3f: {  	v14 =	vmov s29;
	v15 =	vmov s31;
	v11 =	vshll.u32 v11, v4  }
0x40: {  	v29 =	vld [tilespmem:s24+$0x40];
	v16 =	vshrl.u32 v16, $0x3;
	v13 =	vshll.u32 v13, v4;
	v11 =	vbroadcast v11, $0x0  }
0x41: {  	s29 =	simm.s32 $0x3;
	v14 =	vshrl.u32 v14, $0x3;
	v15 =	vshrl.u32 v15, $0x3;
	v19 =	vmul.f32 $8.000000000e+00, v9;
	v9 =	vld [tilespmem:s24+$0xFFFFFF40]  }
0x42: {  	s30 =	sand.u32 $0x78, s29;
	v13 =	vbroadcast v13, $0x0;
	v14 =	vshll.u32 v14, v4;
	v21 =	vadd.s32 v11, v20  }
0x43: {  	v18 =	vmov s30;
	v26 =	vmul.f32 $8.000000000e+00, v17;
	v17 =	vld [tilespmem:s24+$0xC0];
	v21 =	vor.u32 $0x1, v21  }
0x44: {  	v23 =	vld [tilespmem:s24+$0xFFFFFF00];
	v16 =	vshll.u32 v16, v4;
	v12 =	vshrl.u32 v18, $0x3;
	v24 =	vbroadcast v14, $0x0  }
0x45: {  	v31 =	vbroadcast v16, $0x0;
	v18 =	vld [tilespmem:s24+$0x80];
	v47 =	vadd.s32 v13, v45;
	v12 =	vshll.u32 v12, v4  }
0x46: {  	v29 =	vmul.f32 $8.000000000e+00, v29;
	v14 =	vadd.s32 v24, v20;
	v9 =	vmul.f32 $8.000000000e+00, v9  }
0x47: {  	v42 =	vadd.s32 v31, v20;
	v60 =	vadd.s32 v11, v32;
	v28 =	vor.u32 $0x6, v14  }
0x48: {  	s31 =	simm.s32 $0x5;
	v16 =	vmul.f32 $8.000000000e+00, v17;
	v17 =	vadd.s32 v13, v20;
	[tilespmem:v21+s17+$0x0] =	vst.idx.msk $0xffff, v9;
	v21 =	vadd.s32 v11, v27  }
0x49: {  	s1 =	sand.u32 $0x78, s31;
	v14 =	vshll.u32 v15, v4;
	v34 =	vor.u32 $0x1, v21;
	v21 =	vor.u32 $0x7, v17  }
0x4a: {  	v15 =	vmov s1;
	v9 =	vmul.f32 $8.000000000e+00, v18;
	v18 =	vmul.f32 $8.000000000e+00, v23;
	v23 =	vld [tilespmem:s24+$0xFFFFFF50]  }
0x4b: {  	v30 =	vadd.s32 v24, v27;
	v37 =	vbroadcast v12, $0x0;
	v15 =	vshrl.u32 v15, $0x3  }
0x4c: {  	v39 =	vadd.s32 v24, v32;
	v35 =	vbroadcast v14, $0x0;
	v15 =	vshll.u32 v15, v4  }
0x4d: {  	v12 =	vadd.s32 v22, v32;
	v30 =	vor.u32 $0x6, v30;
	v15 =	vbroadcast v15, $0x0;
	[tilespmem:v25+s17+$0x0] =	vst.idx.msk $0xffff, v18  }
0x4e: {  	v40 =	vadd.s32 v37, v27;
	v33 =	vadd.s32 v35, v20;
	v25 =	vor.u32 $0x4, v42;
	[tilespmem:v21+s17+$0x0] =	vst.idx.msk $0xffff, v16  }
0x4f: {  	v36 =	vadd.s32 v35, v27;
	[tilespmem:v28+s17+$0x0] =	vst.idx.msk $0xffff, v9;
	v38 =	vmul.f32 $8.000000000e+00, v23;
	v23 =	vadd.s32 v15, v20;
	v21 =	vld [tilespmem:s24+$0xD0]  }
0x50: {  	v14 =	vadd.s32 v35, v32;
	v61 =	vld [tilespmem:s24+$0x90];
	v16 =	vadd.s32 v13, v27;
	v18 =	vor.u32 $0x5, v23  }
0x51: {  	v35 =	vadd.s32 v35, v45;
	v11 =	vadd.s32 v11, v45;
	v9 =	vld [tilespmem:s24+$0xFFFFFF10];
	v44 =	vor.u32 $0x7, v16  }
0x52: {  	v41 =	vld [tilespmem:s24+$0xFFFFFFC0];
	v17 =	vadd.s32 v31, v32;
	v28 =	vadd.s32 v31, v27;
	v20 =	vadd.s32 v37, v20  }
0x53: {  	v27 =	vadd.s32 v15, v27;
	v13 =	vadd.s32 v13, v32;
	v23 =	vor.u32 $0x2, v33;
	[tilespmem:v25+s17+$0x0] =	vst.idx.msk $0xffff, v26  }
0x54: {  	v46 =	vor.u32 $0x3, v20;
	v16 =	vor.u32 $0x1, v60;
	[tilespmem:v34+s17+$0x0] =	vst.idx.msk $0xffff, v38;
	v10 =	vmul.f32 $8.000000000e+00, v21  }
0x55: {  	v20 =	vadd.s32 v37, v32;
	v33 =	vor.u32 $0x4, v28;
	v62 =	vld [tilespmem:s24+$0x10];
	v25 =	vmul.f32 $8.000000000e+00, v61;
	[tilespmem:v18+s17+$0x0] =	vst.idx.msk $0xffff, v29  }
0x56: {  	v26 =	vor.u32 $0x5, v27;
	v29 =	vmul.f32 $8.000000000e+00, v9;
	v9 =	vadd.s32 v22, v45;
	v22 =	vld [tilespmem:s24+$0x50];
	[tilespmem:v44+s17+$0x0] =	vst.idx.msk $0xffff, v10  }
0x57: {  	[tilespmem:v30+s17+$0x0] =	vst.idx.msk $0xffff, v25;
	v18 =	vadd.s32 v15, v32;
	v21 =	vadd.s32 v24, v45;
	v24 =	vmul.f32 $8.000000000e+00, v41;
	v63 =	vld [tilespmem:s24+$0xE0]  }
0x58: {  	v30 =	vld [tilespmem:s24+$0xFFFFFF60];
	[tilespmem:v23+s17+$0x0] =	vst.idx.msk $0xffff, v19;
	v23 =	vadd.s32 v15, v45;
	v15 =	vor.u32 $0x1, v11;
	v11 =	vadd.s32 v37, v45  }
0x59: {  	v28 =	vor.u32 $0x2, v36;
	v19 =	vor.u32 $0x6, v39;
	v32 =	vld [tilespmem:s24+$0xFFFFFF90];
	v11 =	vor.u32 $0x3, v11  }
0x5a: {  	v27 =	vld [tilespmem:s24+$0xA0];
	v36 =	vmul.f32 $8.000000000e+00, v62;
	v10 =	vadd.s32 v31, v45;
	[tilespmem:v46+s17+$0x0] =	vst.idx.msk $0xffff, v24;
	v31 =	vor.u32 $0x7, v13  }
0x5b: {  	[tilespmem:v43+s17+$0x0] =	vst.idx.msk $0xffff, v29;
	v24 =	vor.u32 $0x3, v40;
	v13 =	vor.u32 $0x2, v35;
	v10 =	vor.u32 $0x4, v10;
	v25 =	vld [tilespmem:s24+$0xFFFFFFD0]  }
0x5c: {  	s26 =	sadd.s32 $0x200, s24;
	v29 =	vld [tilespmem:s24+$0xFFFFFF20];
	v34 =	vmul.f32 $8.000000000e+00, v22;
	v22 =	vor.u32 $0x7, v47;
	v35 =	vmul.f32 $8.000000000e+00, v63  }
.LBB2_3:
0x5d: {  	s1 =	sadd.s32 $0x9, s25  }
0x5e: {  	s28 =	sadd.s32 $0xA, s25;
	v37 =	vld [tilespmem:s26+$0xFFFFFF80];
	v32 =	vmul.f32 $8.000000000e+00, v32;
	[tilespmem:v33+s17+$0x0] =	vst.idx.msk $0xffff, v36;
	v33 =	vor.u32 $0x4, v17;
	v17 =	vor.u32 $0x5, v23;
	s29 =	smov.u32 s25;
	s25 =	sadd.s32 $0x8, s25  }
0x5f: {  	v14 =	vor.u32 $0x2, v14;
	v20 =	vor.u32 $0x3, v20;
	v21 =	vor.u32 $0x6, v21;
	s30 =	sshrl.u32 s25, $0x7;
	s1 =	sand.u32 $0x78, s1;
	s31 =	sadd.s32 $0xE, s29;
	v23 =	vld [tilespmem:s24+$0x20];
	[tilespmem:v31+s17+$0x0] =	vst.idx.msk $0xffff, v35  }
0x60: {  	s0 =	sadd.s32 $0xF, s29;
	v31 =	vmov s30;
	s30 =	sand.u32 $0x78, s25;
	v35 =	vmov s1;
	s1 =	sadd.s32 $0xC, s29;
	[tilespmem:v26+s17+$0x0] =	vst.idx.msk $0xffff, v34;
	v26 =	vmul.f32 $8.000000000e+00, v27;
	v27 =	vld [tilespmem:s24+$0xF0]  }
0x61: {  	p1 =	slt.u32 s25, $0xF8;
	s0 =	sand.u32 $0x78, s0;
	v34 =	vmov s30;
	v31 =	vmul.u32 $0x440, v31;
	s30 =	sadd.s32 $0xD, s29;
	v30 =	vmul.f32 $8.000000000e+00, v30;
	[tilespmem:v28+s17+$0x0] =	vst.idx.msk $0xffff, v32;
	v28 =	vld [tilespmem:s24+$0x60]  }
0x62: {  	s31 =	sand.u32 $0x78, s31;
	v25 =	vmul.f32 $8.000000000e+00, v25;
	s29 =	sadd.s32 $0xB, s29;
	s1 =	sand.u32 $0x78, s1;
	v36 =	vmov s0;
	v32 =	vld [tilespmem:s26+$0xFFFFFF40];
	v29 =	vmul.f32 $8.000000000e+00, v29;
	[tilespmem:v19+s17+$0x0] =	vst.idx.msk $0xffff, v26  }
0x63: {  	s0 =	sand.u32 $0x78, s28;
	v19 =	vshrl.u32 v35, $0x3;
	s28 =	sand.u32 $0x78, s29;
	v26 =	vmov s31;
	[tilespmem:v16+s17+$0x0] =	vst.idx.msk $0xffff, v30;
	v16 =	vor.u32 $0x5, v18;
	v30 =	vld [tilespmem:s24+$0xB0]  }
0x64: {  	v35 =	vmov s0;
	v18 =	vshll.u32 v19, v4;
	v38 =	vld [tilespmem:s24+$0xFFFFFFA0];
	[tilespmem:v24+s17+$0x0] =	vst.idx.msk $0xffff, v25;
	v23 =	vmul.f32 $8.000000000e+00, v23  }
0x65: {  	v18 =	vbroadcast v18, $0x0;
	v24 =	vshrl.u32 v36, $0x3;
	[tilespmem:v12+s17+$0x0] =	vst.idx.msk $0xffff, v29;
	v12 =	vld [tilespmem:s24+$0xFFFFFF70];
	v25 =	vmul.f32 $8.000000000e+00, v27  }
0x66: {  	v19 =	vmul.f32 $8.000000000e+00, v37;
	v26 =	vshrl.u32 v26, $0x3;
	v27 =	vmov s1;
	v29 =	vld [tilespmem:s24+$0xFFFFFFE0];
	[tilespmem:v33+s17+$0x0] =	vst.idx.msk $0xffff, v23  }
0x67: {  	v26 =	vshll.u32 v26, v4;
	v23 =	vbroadcast v31, $0x0;
	v28 =	vmul.f32 $8.000000000e+00, v28;
	v31 =	vld [tilespmem:s24+$0x30];
	[tilespmem:v22+s17+$0x0] =	vst.idx.msk $0xffff, v25  }
0x68: {  	v22 =	vshrl.u32 v35, $0x3;
	v25 =	vmov s28;
	v33 =	vld [tilespmem:s26+$0x0];
	v30 =	vmul.f32 $8.000000000e+00, v30  }
0x69: {  	v34 =	vshrl.u32 v34, $0x3;
	s0 =	sand.u32 $0x78, s30;
	v35 =	vadd.s32 v5, v23;
	v36 =	vld [tilespmem:s24+$0xFFFFFF30];
	v37 =	vmul.f32 $8.000000000e+00, v38;
	[tilespmem:v16+s17+$0x0] =	vst.idx.msk $0xffff, v28  }
0x6a: {  	v16 =	vshll.u32 v34, v4;
	v28 =	vadd.s32 v18, v35;
	v12 =	vmul.f32 $8.000000000e+00, v12;
	v34 =	vld [tilespmem:s24+$0x70];
	[tilespmem:v21+s17+$0x0] =	vst.idx.msk $0xffff, v30  }
0x6b: {  	v21 =	vbroadcast v16, $0x0;
	v16 =	vshrl.u32 v25, $0x3;
	v25 =	vshrl.u32 v27, $0x3;
	v27 =	vld [tilespmem:s26+$0x80]  }
0x6c: {  	v26 =	vbroadcast v26, $0x0;
	v32 =	vmul.f32 $8.000000000e+00, v32;
	v28 =	vor.u32 $0x1, v28;
	v30 =	vld [tilespmem:s26+$0xFFFFFF00];
	[tilespmem:v14+s17+$0x0] =	vst.idx.msk $0xffff, v37  }
0x6d: {  	v37 =	vadd.s32 v21, v35;
	v14 =	vshll.u32 v24, v4;
	[tilespmem:v15+s17+$0x0] =	vst.idx.msk $0xffff, v12;
	v12 =	vld [tilespmem:s24+$0xFFFFFFB0];
	v15 =	vmul.f32 $8.000000000e+00, v29  }
0x6e: {  	v24 =	vmul.f32 $8.000000000e+00, v33;
	v29 =	vadd.s32 v26, v35;
	v33 =	vmul.f32 $8.000000000e+00, v36  }
0x6f: {  	v36 =	vadd.s32 v6, v23;
	v29 =	vor.u32 $0x6, v29;
	v38 =	vld [tilespmem:s26+$0xC0];
	[tilespmem:v20+s17+$0x0] =	vst.idx.msk $0xffff, v15;
	v15 =	vmul.f32 $8.000000000e+00, v31  }
0x70: {  	v20 =	vshll.u32 v22, v4;
	v22 =	vmov s0;
	v31 =	vbroadcast v14, $0x0;
	[tilespmem:v9+s17+$0x0] =	vst.idx.msk $0xffff, v33;
	v9 =	vld [tilespmem:s24+$0xFFFFFFF0];
	s24 =	smov.u32 s26  }
0x71: {  	v14 =	vshll.u32 v25, v4;
	v22 =	vshrl.u32 v22, $0x3;
	v27 =	vmul.f32 $8.000000000e+00, v27;
	[tilespmem:v28+s17+$0x0] =	vst.idx.msk $0xffff, v32;
	v25 =	vld [tilespmem:s26+$0x40]  }
0x72: {  	v28 =	vmul.f32 $8.000000000e+00, v30;
	v32 =	vadd.s32 v26, v36;
	v30 =	vld [tilespmem:s26+$0xFFFFFF50];
	[tilespmem:v10+s17+$0x0] =	vst.idx.msk $0xffff, v15;
	v10 =	vmul.f32 $8.000000000e+00, v34  }
0x73: {  	v22 =	vshll.u32 v22, v4;
	v15 =	vadd.s32 v18, v36;
	v12 =	vmul.f32 $8.000000000e+00, v12  }
0x74: {  	v33 =	vbroadcast v14, $0x0;
	v15 =	vor.u32 $0x1, v15;
	v34 =	vmul.f32 $8.000000000e+00, v38;
	[tilespmem:v17+s17+$0x0] =	vst.idx.msk $0xffff, v10  }
0x75: {  	v38 =	vbroadcast v20, $0x0;
	v10 =	vadd.s32 v31, v35;
	[tilespmem:v13+s17+$0x0] =	vst.idx.msk $0xffff, v12;
	v9 =	vmul.f32 $8.000000000e+00, v9  }
0x76: {  	v12 =	vshll.u32 v16, v4;
	v10 =	vor.u32 $0x7, v10;
	v13 =	vmul.f32 $8.000000000e+00, v25  }
0x77: {  	v22 =	vbroadcast v22, $0x0;
	v25 =	vadd.s32 v7, v23;
	v16 =	vadd.s32 v38, v35;
	[tilespmem:v11+s17+$0x0] =	vst.idx.msk $0xffff, v9  }
0x78: {  	v39 =	vbroadcast v12, $0x0;
	v11 =	vadd.s32 v38, v36;
	v14 =	vadd.s32 v38, v25  }
0x79: {  	v20 =	vadd.s32 v22, v35;
	v9 =	vmul.f32 $8.000000000e+00, v30;
	[tilespmem:v29+s17+$0x0] =	vst.idx.msk $0xffff, v27;
	v27 =	vadd.s32 v26, v25  }
0x7a: {  	v17 =	vadd.s32 v33, v25;
	v29 =	vadd.s32 v39, v36  }
0x7b: {  	v40 =	vadd.s32 v33, v35;
	v41 =	vor.u32 $0x6, v32;
	v30 =	vld [tilespmem:s26+$0xFFFFFFC0];
	[tilespmem:v10+s17+$0x0] =	vst.idx.msk $0xffff, v34;
	v10 =	vadd.s32 v31, v36  }
0x7c: {  	v12 =	vadd.s32 v21, v25;
	[tilespmem:v37+s17+$0x0] =	vst.idx.msk $0xffff, v28;
	v37 =	vadd.s32 v21, v36;
	v28 =	vor.u32 $0x5, v20;
	v32 =	vld [tilespmem:s26+$0xD0]  }
0x7d: {  	v43 =	vadd.s32 v33, v36;
	v40 =	vor.u32 $0x4, v40;
	v42 =	vor.u32 $0x2, v16;
	v34 =	vld [tilespmem:s26+$0xFFFFFF10]  }
0x7e: {  	v10 =	vor.u32 $0x7, v10;
	[tilespmem:v15+s17+$0x0] =	vst.idx.msk $0xffff, v9;
	v9 =	vadd.s32 v18, v25;
	v15 =	vadd.s32 v39, v35;
	v35 =	vld [tilespmem:s26+$0x90]  }
0x7f: {  	v44 =	vadd.s32 v8, v23;
	v45 =	vor.u32 $0x3, v15;
	v15 =	vadd.s32 v22, v36  }
0x80: {  	v46 =	vadd.s32 v31, v44;
	v20 =	vadd.s32 v39, v25;
	v16 =	vor.u32 $0x1, v9  }
0x81: {  	v36 =	vadd.s32 v18, v44;
	v18 =	vadd.s32 v22, v25;
	[tilespmem:v28+s17+$0x0] =	vst.idx.msk $0xffff, v13;
	v13 =	vmul.f32 $8.000000000e+00, v32  }
0x82: {  	v9 =	vadd.s32 v21, v44;
	v21 =	vadd.s32 v26, v44;
	v47 =	vmul.f32 $8.000000000e+00, v34;
	[tilespmem:v40+s17+$0x0] =	vst.idx.msk $0xffff, v24;
	v24 =	vld [tilespmem:s26+$0x50]  }
0x83: {  	v28 =	vmul.f32 $8.000000000e+00, v30;
	v40 =	vld [tilespmem:s26+$0x10];
	v30 =	vmul.f32 $8.000000000e+00, v35;
	[tilespmem:v10+s17+$0x0] =	vst.idx.msk $0xffff, v13;
	v13 =	vadd.s32 v31, v25  }
0x84: {  	v23 =	vadd.s32 v22, v44;
	v10 =	vadd.s32 v33, v44;
	[tilespmem:v42+s17+$0x0] =	vst.idx.msk $0xffff, v19;
	v19 =	vor.u32 $0x6, v27;
	v22 =	vld [tilespmem:s26+$0xE0]  }
.Ltmp0:
0x85: {  	v26 =	vor.u32 $0x5, v15;
	v33 =	vor.u32 $0x4, v43;
	v10 =	vor.u32 $0x4, v10;
	v32 =	vld [tilespmem:s26+$0xFFFFFF90];
	[tilespmem:v41+s17+$0x0] =	vst.idx.msk $0xffff, v30;
	(pc) =	sbr.rel @p1 .LBB2_3-.Ltmp0, $4  }
0x86: {  	v15 =	vor.u32 $0x1, v36;
	v35 =	vadd.s32 v38, v44;
	v31 =	vor.u32 $0x7, v13;
	[tilespmem:v45+s17+$0x0] =	vst.idx.msk $0xffff, v28;
	v27 =	vld [tilespmem:s26+$0xA0]  }
0x87: {  	v28 =	vor.u32 $0x2, v11;
	v11 =	vadd.s32 v39, v44;
	v25 =	vld [tilespmem:s26+$0xFFFFFFD0];
	v34 =	vmul.f32 $8.000000000e+00, v24  }
0x88: {  	v24 =	vor.u32 $0x3, v29;
	v11 =	vor.u32 $0x3, v11;
	[tilespmem:v37+s17+$0x0] =	vst.idx.msk $0xffff, v47;
	v30 =	vld [tilespmem:s26+$0xFFFFFF60];
	v36 =	vmul.f32 $8.000000000e+00, v40  }
0x89: {  	v13 =	vor.u32 $0x2, v35;
	s26 =	sadd.s32 $0x200, s26;
	v29 =	vld [tilespmem:s24+$0xFFFFFF20];
	v35 =	vmul.f32 $8.000000000e+00, v22;
	v22 =	vor.u32 $0x7, v46  }
0x8a: {  	_ =	sdelay $0x3  }
0x8b: {  	v5 =	vmul.f32 $8.000000000e+00, v32;
	[tilespmem:v33+s17+$0x0] =	vst.idx.msk $0xffff, v36  }
0x8c: {  	[tilespmem:v26+s17+$0x0] =	vst.idx.msk $0xffff, v34;
	v6 =	vld [tilespmem:s24+$0x20];
	v7 =	vmul.f32 $8.000000000e+00, v25  }
0x8d: {  	[tilespmem:v28+s17+$0x0] =	vst.idx.msk $0xffff, v5;
	v5 =	vld [tilespmem:s24+$0x60]  }
0x8e: {  	v8 =	vor.u32 $0x4, v17;
	v52 =	vmul.f32 $8.000000000e+00, v27;
	v53 =	vld [tilespmem:s24+$0xFFFFFFA0];
	[tilespmem:v24+s17+$0x0] =	vst.idx.msk $0xffff, v7  }
0x8f: {  	v18 =	vor.u32 $0x5, v18;
	[tilespmem:v31+s17+$0x0] =	vst.idx.msk $0xffff, v35;
	v7 =	vmul.f32 $8.000000000e+00, v30;
	v24 =	vld [tilespmem:s24+$0xFFFFFFE0]  }
0x90: {  	v14 =	vor.u32 $0x2, v14;
	v54 =	vld [tilespmem:s24+$0xF0];
	[tilespmem:v19+s17+$0x0] =	vst.idx.msk $0xffff, v52;
	v55 =	vmul.f32 $8.000000000e+00, v29  }
0x91: {  	v56 =	vor.u32 $0x3, v20;
	[tilespmem:v16+s17+$0x0] =	vst.idx.msk $0xffff, v7;
	v7 =	vld [tilespmem:s24+$0xB0];
	v6 =	vmul.f32 $8.000000000e+00, v6  }
0x92: {  	[tilespmem:v12+s17+$0x0] =	vst.idx.msk $0xffff, v55;
	v57 =	vld [tilespmem:s24+$0xFFFFFF70];
	v5 =	vmul.f32 $8.000000000e+00, v5  }
0x93: {  	v58 =	vor.u32 $0x6, v21;
	[tilespmem:v8+s17+$0x0] =	vst.idx.msk $0xffff, v6;
	v6 =	vld [tilespmem:s24+$0xFFFFFF30];
	v59 =	vmul.f32 $8.000000000e+00, v53  }
0x94: {  	v60 =	vld [tilespmem:s24+$0x30];
	[tilespmem:v18+s17+$0x0] =	vst.idx.msk $0xffff, v5;
	v5 =	vmul.f32 $8.000000000e+00, v24  }
0x95: {  	v61 =	vmul.f32 $8.000000000e+00, v54;
	v62 =	vld [tilespmem:s24+$0x70];
	[tilespmem:v14+s17+$0x0] =	vst.idx.msk $0xffff, v59  }
0x96: {  	v7 =	vmul.f32 $8.000000000e+00, v7;
	v8 =	vld [tilespmem:s24+$0xFFFFFFB0];
	[tilespmem:v56+s17+$0x0] =	vst.idx.msk $0xffff, v5  }
0x97: {  	[tilespmem:v22+s17+$0x0] =	vst.idx.msk $0xffff, v61;
	v5 =	vor.u32 $0x5, v23;
	v12 =	vmul.f32 $8.000000000e+00, v57;
	v63 =	vld [tilespmem:s24+$0xFFFFFFF0]  }
0x98: {  	[tilespmem:v58+s17+$0x0] =	vst.idx.msk $0xffff, v7;
	v6 =	vmul.f32 $8.000000000e+00, v6  }
0x99: {  	[tilespmem:v15+s17+$0x0] =	vst.idx.msk $0xffff, v12;
	v7 =	vmul.f32 $8.000000000e+00, v60  }
0x9a: {  	[tilespmem:v9+s17+$0x0] =	vst.idx.msk $0xffff, v6;
	v6 =	vmul.f32 $8.000000000e+00, v62  }
0x9b: {  	[tilespmem:v10+s17+$0x0] =	vst.idx.msk $0xffff, v7;
	v7 =	vmul.f32 $8.000000000e+00, v8  }
0x9c: {  	s0 =	sadd.s32 s7, s22;
	[tilespmem:v5+s17+$0x0] =	vst.idx.msk $0xffff, v6;
	v5 =	vmul.f32 $8.000000000e+00, v63  }
0x9d: {  	s1 =	sshll.u32 s0, $0x8;
	[tilespmem:v13+s17+$0x0] =	vst.idx.msk $0xffff, v7  }
0x9e: {  	s0 =	sshll.u32 s0, $0xB;
	s1 =	sand.u32 $0xF00, s1;
	[tilespmem:v11+s17+$0x0] =	vst.idx.msk $0xffff, v5  }
0x9f: {  	s0 =	sand.u32 $0xFFF8000, s0;
	s1 =	sadd.s32 s2, s1;
	s26 =	rddreg [dreg:$0x3]  }
0xa0: {  	s25 =	sadd.s32 s0, s1;
	s24 =	sadd.s32 $0x0, s26  }
0xa1: {  	[hbm4b:s25+s3] =	stream.linear.scatter [tilespmem:s24], [sflag:s23], $0x80, $0x38;
	[tilespmem:$0x10C00] =	vst v63  }
0xa2: {  	s0 =	sadd.s32 $0x10, s25;
	s28 =	sadd.s32 $0x88, s24  }
0xa3: {  	[hbm4b:s0+s3] =	stream.linear.scatter [tilespmem:s28], [sflag:s23], $0x80, $0x38;
	[tilespmem:$0x10C00] =	vst v63  }
0xa4: {  	s26 =	sadd.s32 $0x20, s25;
	s28 =	sadd.s32 $0x110, s24  }
0xa5: {  	[hbm4b:s26+s3] =	stream.linear.scatter [tilespmem:s28], [sflag:s23], $0x80, $0x38;
	[tilespmem:$0x10C00] =	vst v63  }
0xa6: {  	s26 =	sadd.s32 $0x30, s25;
	s28 =	sadd.s32 $0x198, s24  }
0xa7: {  	[hbm4b:s26+s3] =	stream.linear.scatter [tilespmem:s28], [sflag:s23], $0x80, $0x38;
	[tilespmem:$0x10C00] =	vst v63  }
0xa8: {  	s26 =	sadd.s32 $0x40, s25;
	s28 =	sadd.s32 $0x220, s24  }
0xa9: {  	[hbm4b:s26+s3] =	stream.linear.scatter [tilespmem:s28], [sflag:s23], $0x80, $0x38;
	[tilespmem:$0x10C00] =	vst v63  }
0xaa: {  	s26 =	sadd.s32 $0x50, s25;
	s28 =	sadd.s32 $0x2A8, s24  }
0xab: {  	[hbm4b:s26+s3] =	stream.linear.scatter [tilespmem:s28], [sflag:s23], $0x80, $0x38;
	[tilespmem:$0x10C00] =	vst v63  }
0xac: {  	s26 =	sadd.s32 $0x60, s25;
	s28 =	sadd.s32 $0x330, s24  }
0xad: {  	[hbm4b:s26+s3] =	stream.linear.scatter [tilespmem:s28], [sflag:s23], $0x80, $0x38;
	[tilespmem:$0x10C00] =	vst v63  }
0xae: {  	s26 =	sadd.s32 $0x70, s25;
	s28 =	sadd.s32 $0x3B8, s24  }
0xaf: {  	[hbm4b:s26+s3] =	stream.linear.scatter [tilespmem:s28], [sflag:s23], $0x80, $0x38;
	[tilespmem:$0x10C00] =	vst v63  }
0xb0: {  	s26 =	sadd.s32 $0x80, s25;
	s28 =	sadd.s32 $0x440, s24  }
0xb1: {  	[hbm4b:s26+s3] =	stream.linear.scatter [tilespmem:s28], [sflag:s23], $0x80, $0x38;
	[tilespmem:$0x10C00] =	vst v63  }
0xb2: {  	s26 =	sadd.s32 $0x4C8, s24;
	s28 =	sadd.s32 $0x90, s25  }
0xb3: {  	[hbm4b:s28+s3] =	stream.linear.scatter [tilespmem:s26], [sflag:s23], $0x80, $0x38;
	[tilespmem:$0x10C00] =	vst v63  }
0xb4: {  	s26 =	sadd.s32 $0x550, s24;
	s28 =	sadd.s32 $0xA0, s25  }
0xb5: {  	[hbm4b:s28+s3] =	stream.linear.scatter [tilespmem:s26], [sflag:s23], $0x80, $0x38;
	[tilespmem:$0x10C00] =	vst v63  }
0xb6: {  	s29 =	simm.s32 $0x2200;
	s26 =	sadd.s32 $0x5D8, s24;
	s28 =	sadd.s32 $0xB0, s25  }
0xb7: {  	[hbm4b:s28+s3] =	stream.linear.scatter [tilespmem:s26], [sflag:s23], $0x80, $0x38;
	[tilespmem:$0x10C00] =	vst v63  }
0xb8: {  	s1 =	sadd.s32 $0xD0, s25;
	s26 =	sadd.s32 $0x660, s24;
	s28 =	sadd.s32 $0xC0, s25  }
0xb9: {  	[hbm4b:s28+s3] =	stream.linear.scatter [tilespmem:s26], [sflag:s23], $0x80, $0x38;
	[tilespmem:$0x10C00] =	vst v63  }
0xba: {  	s30 =	sadd.s32 $0xE0, s25;
	s31 =	sadd.s32 $0x6E8, s24;
	s26 =	sadd.s32 $0x1000, s25  }
.LBB2_5:
0xbb: {  	[hbm4b:s1+s3] =	stream.linear.scatter [tilespmem:s31], [sflag:s23], $0x80, $0x38;
	[tilespmem:$0x10C00] =	vst v63  }
0xbc: {  	s0 =	smov.u32 s29;
	s1 =	rddreg [dreg:$0x3];
	s28 =	sadd.s32 $0x770, s24  }
0xbd: {  	[hbm4b:s30+s3] =	stream.linear.scatter [tilespmem:s28], [sflag:s23], $0x80, $0x38;
	[tilespmem:$0x10C00] =	vst v63  }
0xbe: {  	s24 =	sadd.s32 $0x7F8, s24;
	s25 =	sadd.s32 $0xF0, s25;
	s0 =	sshra.s32 s29, $0x2  }
0xbf: {  	[hbm4b:s25+s3] =	stream.linear.scatter [tilespmem:s24], [sflag:s23], $0x80, $0x38;
	[tilespmem:$0x10C00] =	vst v63  }
0xc0: {  	s24 =	sadd.s32 s0, s1  }
0xc1: {  	[hbm4b:s26+s3] =	stream.linear.scatter [tilespmem:s24], [sflag:s23], $0x80, $0x38;
	[tilespmem:$0x10C00] =	vst v63  }
0xc2: {  	p1 =	sne.s32 s29, $0xEE00;
	s0 =	sadd.s32 $0x10, s26;
	s1 =	sadd.s32 $0x88, s24  }
0xc3: {  	[hbm4b:s0+s3] =	stream.linear.scatter [tilespmem:s1], [sflag:s23], $0x80, $0x38;
	[tilespmem:$0x10C00] =	vst v63  }
0xc4: {  	s28 =	sadd.s32 $0x2200, s29;
	s29 =	sadd.s32 $0x20, s26;
	s0 =	sadd.s32 $0x110, s24  }
0xc5: {  	[hbm4b:s29+s3] =	stream.linear.scatter [tilespmem:s0], [sflag:s23], $0x80, $0x38;
	[tilespmem:$0x10C00] =	vst v63  }
0xc6: {  	s1 =	sadd.s32 $0x30, s26;
	s0 =	sadd.s32 $0x198, s24  }
0xc7: {  	[hbm4b:s1+s3] =	stream.linear.scatter [tilespmem:s0], [sflag:s23], $0x80, $0x38;
	[tilespmem:$0x10C00] =	vst v63  }
0xc8: {  	s29 =	sadd.s32 $0x40, s26;
	s0 =	sadd.s32 $0x220, s24  }
0xc9: {  	[hbm4b:s29+s3] =	stream.linear.scatter [tilespmem:s0], [sflag:s23], $0x80, $0x38;
	[tilespmem:$0x10C00] =	vst v63  }
0xca: {  	s1 =	sadd.s32 $0x50, s26;
	s0 =	sadd.s32 $0x2A8, s24  }
0xcb: {  	[hbm4b:s1+s3] =	stream.linear.scatter [tilespmem:s0], [sflag:s23], $0x80, $0x38;
	[tilespmem:$0x10C00] =	vst v63  }
0xcc: {  	s29 =	sadd.s32 $0x60, s26;
	s0 =	sadd.s32 $0x330, s24  }
0xcd: {  	[hbm4b:s29+s3] =	stream.linear.scatter [tilespmem:s0], [sflag:s23], $0x80, $0x38;
	[tilespmem:$0x10C00] =	vst v63  }
0xce: {  	s1 =	sadd.s32 $0x70, s26;
	s0 =	sadd.s32 $0x3B8, s24  }
0xcf: {  	[hbm4b:s1+s3] =	stream.linear.scatter [tilespmem:s0], [sflag:s23], $0x80, $0x38;
	[tilespmem:$0x10C00] =	vst v63  }
0xd0: {  	s29 =	sadd.s32 $0x80, s26;
	s1 =	sadd.s32 $0x440, s24  }
0xd1: {  	[hbm4b:s29+s3] =	stream.linear.scatter [tilespmem:s1], [sflag:s23], $0x80, $0x38;
	[tilespmem:$0x10C00] =	vst v63  }
0xd2: {  	s25 =	smov.u32 s26;
	s0 =	sadd.s32 $0x4C8, s24;
	s1 =	sadd.s32 $0x90, s26  }
0xd3: {  	[hbm4b:s1+s3] =	stream.linear.scatter [tilespmem:s0], [sflag:s23], $0x80, $0x38;
	[tilespmem:$0x10C00] =	vst v63  }
0xd4: {  	s31 =	sadd.s32 $0x6E8, s24;
	s0 =	sadd.s32 $0x550, s24;
	s1 =	sadd.s32 $0xA0, s26  }
0xd5: {  	[hbm4b:s1+s3] =	stream.linear.scatter [tilespmem:s0], [sflag:s23], $0x80, $0x38;
	[tilespmem:$0x10C00] =	vst v63  }
.Ltmp1:
0xd6: {  	s0 =	sadd.s32 $0x5D8, s24;
	s1 =	sadd.s32 $0xB0, s26;
	(pc) =	sbr.rel @p1 .LBB2_5-.Ltmp1, $4  }
0xd7: {  	[hbm4b:s1+s3] =	stream.linear.scatter [tilespmem:s0], [sflag:s23], $0x80, $0x38;
	[tilespmem:$0x10C00] =	vst v63  }
0xd8: {  	s30 =	sadd.s32 $0xE0, s25;
	s0 =	sadd.s32 $0x660, s24;
	s1 =	sadd.s32 $0xC0, s25  }
0xd9: {  	[hbm4b:s1+s3] =	stream.linear.scatter [tilespmem:s0], [sflag:s23], $0x80, $0x38;
	[tilespmem:$0x10C00] =	vst v63  }
0xda: {  	s29 =	smov.u32 s28;
	s26 =	sadd.s32 $0x1000, s26;
	s1 =	sadd.s32 $0xD0, s25  }
0xdb: {  	[hbm4b:s1+s3] =	stream.linear.scatter [tilespmem:s31], [sflag:s23], $0x80, $0x38;
	[tilespmem:$0x10C00] =	vst v63  }
0xdc: {  	s0 =	sadd.s32 $0x770, s24;
	p1 =	sgt.u32 s22, $0x60  }
0xdd: {  	[hbm4b:s30+s3] =	stream.linear.scatter [tilespmem:s0], [sflag:s23], $0x80, $0x38;
	[tilespmem:$0x10C00] =	vst v63  }
0xde: {  	s0 =	sadd.s32 @!p1 $0x3, s22  }
0xdf: {  	s31 =	sadd.s32 $0xF0, s25;
	s30 =	sadd.s32 $0x7F8, s24;
	s1 =	sadd.s32 @!p1 s7, s0  }
0xe0: {  	[hbm4b:s31+s3] =	stream.linear.scatter [tilespmem:s30], [sflag:s23], $0x80, $0x38;
	[tilespmem:$0x10C00] =	vst v63  }
0xe1: {  	s0 =	sand.u32 @!p1 $0x3, s0;
	s1 =	sshll.u32 @!p1 s1, $0x5  }
0xe2: {  	s22 =	sshll.u32 @!p1 s0, $0x8;
	s1 =	sand.u32 @!p1 $0xFFFFFE0, s1  }
0xe3: {  	s0 =	sadd.s32 @!p1 $0x1, s0;
	s23 =	simm.s32 @!p1 $0x0;
	s1 =	sadd.s32 @!p1 s4, s1  }
0xe4: {  	[tilespmem:s22], [sflag:s0] =	stream.linear.gather @!p1 [hbm4b:s1+s23], $0x100, $0x38;
	[tilespmem:$0x10C00] =	vst v63  }
0xe5: {  	p1 =	sne.s32 s21, $0x64  }
.Ltmp2:
0xe6: {  	_ = 	snop;
	(pc) =	sbr.rel @p1 .LBB2_2-.Ltmp2, $2  }
0xe7: {  	_ =	sdelay $0x2  }
0xe8: {  	p0 =	por !p0, !p0;
	s22 =	smov.u32 s21  }
0xe9: {  	s20 =	sadd.s32 $0x1, s20  }
0xea: {  	_ =	swait.ge [sflag:s18], $0x4000;
	p0 =	sne.s32 s20, s10  }
.Ltmp3:
0xeb: {  	[sflag:s18] =	ssyncset.done $0x0;
	(pc) =	sbr.rel @p0 .LBB2_1-.Ltmp3, $4  }
0xec: {  	[sflag:s18] =	ssyncadd.s32 $0xFFFFC000  }
0xed: {  	_ =	swait.ge [sflag:s19], $0x4000  }
0xee: {  	[sflag:s19] =	ssyncset.done $0x0  }
0xef: {  	[sflag:s19] =	ssyncadd.s32 $0xFFFFC000  }
0xf0: {  	_ =	sfence.sel $0x180000  }
0xf1: {  	[bflag:$0x0] =	sbarrier.arrive $0xFFFF  }
0xf2: {  	_ =	strace $0x9000004A  }
0xf3: {  	s0 =	stileid.u32;
	[bflag:$0x2] =	sbarrier.arrive $0xFFFF  }
0xf4: {  	p0 =	sne.s32 s0, $0x0;
	s0 =	rddreg [dreg:$0x2]  }
0xf5: {  	s0 =	sadd.s32 @!p0 $0x100000, s0  }
0xf6: {  	[sflag:s0] =	ssyncadd.tile.s32 @!p0 $0x1;
	_ =	shalt  }
.Lfunc_end2:
_tile_overlayer_lowered:
.L_overlay_start_2:
0xf7: {  	(tag) =	ssettag $0x2  }
0xf8: {  	s0 =	rddreg [dreg:$0x0];
	s2 =	stileid.u32  }
0xf9: {  	s1 =	rddreg [dreg:$0x1];
	p0 =	sne.s32 s2, $0x0  }
0xfa: {  	s3 =	rddreg [dreg:$0x2];
	[bflag:$0x3] =	sbarrier.arrive $0xFFFF;
	s2 =	simm.s32 @!p0 $0x1C09  }
0xfb: {  	[timem:s3], [sflag:s2] =	dma.local @!p0 [hbm:s0], s1  }
0xfc: {  	s0 =	simm.s32 @!p0 $0x9  }
0xfd: {  	_ =	swait.ge @!p0 [sflag:s0], s1  }
0xfe: {  	s1 =	ssub.s32 @!p0 $0x0, s1;
	[sflag:s0] =	ssyncset.done @!p0 $0x0  }
0xff: {  	[sflag:s0] =	ssyncadd.s32 @!p0 s1  }
0x100: {  	[bflag:$0x3] =	sbarrier.arrive $0xFFFF  }
0x101: {  	_ =	shalt  }

// kernel: sparse-core-data-format-call.cloned.1.call-start
scs
called_computation_lowered:
.L_overlay_start_0:
0x0: {  	s2 =	sld [smem:$0x3FD9]  }
0x1: {  	s3 =	sld [smem:$0x3FFE];
	_ =	sdelay $0x1  }
0x2: {  	s1 =	srdreg.scid  }
0x3: {  	s0 =	sand.u32 $0x1, s1  }
0x4: {  	s18 =	sshll.u32 s0, $0xA;
	s2 =	sadd.s32 s3, s2  }
0x5: {  	s2 =	sadd.s32 s2, s18  }
0x6: {  	[smem:$0x3FC6] =	sst s2  }
0x7: {  	_ = 	snop  }
0x8: {  	s2 =	sld [smem:$0x3FC8];
	(tm) =	ssettm $0x1  }
0x9: {  	s19 =	sld [smem:$0x3FFB];
	_ =	sdelay $0x3  }
0xa: {  	_ =	strace s19  }
0xb: {  	s3 =	sld [smem:$0x3FFC];
	_ =	sdelay $0x3  }
0xc: {  	_ =	strace s3  }
0xd: {  	s3 =	sld [smem:$0x3FFD];
	_ =	sdelay $0x3  }
0xe: {  	_ =	strace s3  }
0xf: {  	_ =	strace $0x8FFFFFFF  }
0x10: {  	s20 =	sld [smem:$0x3FDB];
	_ =	sdelay $0x1  }
0x11: {  	s4 =	simm.s32 $_scs_section_size  }
0x12: {  	s5 =	simm.s32 $_size__tile_overlayer_lowered;
	s6 =	simm.s32 $_tile_overlayer_lowered  }
0x13: {  	s23 =	simm.s32 $0x1BFF;
	s22 =	sshll.u32 s6, $0x1;
	s3 =	sadd.s32 s4, s20  }
0x14: {  	s7 =	simm.s32 $0x0;
	s21 =	sshll.u32 s5, $0x1;
	s5 =	sadd.s32 s22, s3  }
0x15: {  	[timem:s7], [sflag:s23] =	dma.local [hbm:s5], s21  }
0x16: {  	_ =	swait.ge [sflag:s23], s21  }
0x17: {  	s4 =	ssub.s32 $0x0, s21;
	[sflag:s23] =	ssyncset.done $0x0  }
0x18: {  	[sflag:s23] =	ssyncadd.s32 s4;
	_ =	sdelay $0x1  }
0x19: {  	s24 =	simm.s32 $0x1B8B  }
0x1a: {  	_ =	swait.ge [sflag:s24], $0x1  }
0x1b: {  	[sflag:s24] =	ssyncset.done $0x0  }
0x1c: {  	s26 =	simm.s32 $0x1B8E;
	s25 =	sld [smem:$0x3FFE];
	[sflag:s24] =	ssyncadd.s32 $0xFFFFFFFF  }
0x1d: {  	s27 =	simm.s32 $execute0_lowered;
	[smem:$0x3FD2] =	sst s26  }
0x1e: {  	s5 =	sshll.u32 s27, $0x1;
	_ =	strace $0x80000046;
	[dreg:$0x1] =	wrdreg $0xFFFFFFFF  }
0x1f: {  	s28 =	simm.s32 $_size_execute0_lowered;
	s3 =	sadd.s32 s3, s5;
	[dreg:$0x0] =	wrdreg $0x0  }
0x20: {  	s5 =	sshll.u32 s28, $0x1;
	[dreg:$0x2] =	wrdreg s3  }
0x21: {  	[dreg:$0x3] =	wrdreg s5  }
0x22: {  	[dreg:$0x4] =	wrdreg $0xC0  }
0x23: {  	_ =	task [dreg:s7], $0x5FFFF  }
0x24: {  	[dreg:$0x1] =	wrdreg $0xFFFFFFFF  }
0x25: {  	[dreg:$0x0] =	wrdreg $0x60  }
0x26: {  	[dreg:$0x2] =	wrdreg s2  }
0x27: {  	[dreg:$0x3] =	wrdreg s25  }
0x28: {  	[dreg:$0x4] =	wrdreg $0x9  }
0x29: {  	_ =	task.clear_ibuf [dreg:s7], $0x5FFFF;
	_ =	strace $0x90000046  }
0x2a: {  	s29 =	simm.s32 $0x9;
	_ =	strace $0x80000048  }
0x2b: {  	_ =	swait.ge [sflag:s29], $0x1  }
0x2c: {  	[sflag:s29] =	ssyncadd.s32 $0xFFFFFFFF  }
0x2d: {  	_ =	strace $0x90000048  }
0x2e: {  	_ =	sfence  }
0x2f: {  	s30 =	sld [smem:$0x0];
	_ =	sdelay $0x2  }
0x30: {  	s31 =	sshll.u32 s1, $0xD;
	s1 =	sshrl.u32 s1, $0x2  }
0x31: {  	s3 =	sand.u32 $0x4000, s31;
	s1 =	sadd.s32 s1, s30  }
0x32: {  	s0 =	sor.u32 s3, s0;
	s1 =	sshll.u32 s1, $0x11  }
0x33: {  	s0 =	sor.u32 s1, s0  }
0x34: {  	s0 =	sadd.s32 $0x8F2B, s0  }
0x35: {  	[sflag:s0] =	ssyncadd.remote.s32 $0x1  }
0x36: {  	_ =	sfence.sel $0xFFFF  }
0x37: {  	[dreg:$0x0] =	wrdreg $0xFFFFFFFF;
	(pc) =	sbr.abs _section_cstart, $3  }
0x38: {  	[dreg:$0x1] =	wrdreg $0xFFFFFFFF  }
0x39: {  	_ =	task.clear_ibuf [dreg:s7], $0x2FFFF;
	_ =	strace $0x9FFFFFFF  }
0x3a: {  	(tm) =	ssettm $0x7FFFFFFF  }
0x3b: {  	_ =	shalt  }
tec
execute0_lowered:
.L_overlay_start_1:
0x0: {  	(tag) =	ssettag $0x1  }
0x1: {  	s0 =	srdreg.scid;
	s2 =	rddreg [dreg:$0x0]  }
0x2: {  	s5 =	rddreg [dreg:$0x1];
	s1 =	stileid.u32  }
0x3: {  	s4 =	simm.s32 $0x1;
	s6 =	simm.s32 $0x2;
	s15 =	simm.s32 $0x0  }
0x4: {  	p0 =	por $0x0, $0x0;
	s8 =	simm.s32 $0x80;
	s0 =	sshll.u32 s0, $0x4  }
0x5: {  	s14 =	simm.s32 $0x0;
	s9 =	simm.s32 $0x0;
	s3 =	sand.u32 $0x10, s0  }
.Ltmp0:
0x6: {  	s10 =	simm.s32 $0x0;
	s3 =	sor.u32 s1, s3;
	(pc) =	sbr.rel .LBB1_1-.Ltmp0, $4  }
0x7: {  	s0 =	rddreg [dreg:$0x2];
	_ =	strace $0x80000047;
	s3 =	sshll.u32 s3, $0x7  }
0x8: {  	s12 =	simm.s32 $0x0;
	[sflag:s4] =	ssyncpa.u1 $0x0;
	s7 =	ssub.s32 $0xF4200, s3  }
0x9: {  	s13 =	simm.s32 $0x0;
	[sflag:s6] =	ssyncpa.u1 $0x0;
	s6 =	sshrl.u32 s7, $0xC  }
0xa: {  	s5 =	sadd.s32 $0xA00, s5;
	s11 =	smov.u32 s3;
	s7 =	sadd.s32 $0x2, s6  }
.LBB1_5:
0xb: {  	p1 =	slt.u32 s13, $0x2  }
0xc: {  	s17 =	smov.u32 s15;
	p2 =	sgt.s32 @!p1 s15, $0xF41C0;
	s16 =	sshra.s32 @!p1 s15, $0x1F  }
0xd: {  	p3 =	sgt.s32 @!p1 s14, $0x40;
	s18 =	sshra.s32 @!p1 s14, $0x1F;
	p2 =	por !p2, p1  }
0xe: {  	s15 =	sand.u32 @!p1 s16, s15;
	p3 =	por !p3, p1;
	s16 =	smov.u32 s14  }
0xf: {  	s14 =	sand.u32 @!p1 s18, s14;
	s17 =	simm.s32 @p2 $0xF41C0;
	s16 =	simm.s32 @p3 $0x40  }
0x10: {  	s15 =	ssub.s32 @!p1 s17, s15;
	s14 =	ssub.s32 @!p1 s16, s14  }
0x11: {  	s18 =	smov.u32 s12;
	s16 =	sadd.s32 @!p1 $0xFFF0BE40, s15;
	s17 =	sadd.s32 @!p1 $0xFFFFFFC0, s14  }
0x12: {  	s15 =	ssub.s32 @!p1 $0xF4240, s15;
	p2 =	sgt.s32 @!p1 s16, $0x7F;
	p3 =	sgt.s32 @!p1 s17, $0x3F  }
0x13: {  	s14 =	ssub.s32 @!p1 $0x80, s14;
	p2 =	por !p2, p1;
	p3 =	por !p3, p1  }
0x14: {  	s16 =	sadd.s32 $0x1000, s11;
	s15 =	simm.s32 @!p2 $0x0;
	s14 =	simm.s32 @!p3 $0x0  }
0x15: {  	p2 =	sgt.s32 s16, $0xF423F;
	s14 =	smul.u32 @!p1 s14, s15;
	s15 =	sadd.s32 $0x40, s12  }
0x16: {  	s18 =	smov.u32 @p2 s15  }
0x17: {  	s16 =	smov.u32 @p2 s3;
	p2 =	sgt.s32 s18, $0x3F  }
0x18: {  	s18 =	simm.s32 @p2 $0x0;
	p2 =	sne.s32 s13, s7  }
.Ltmp1:
0x19: {  	p0 =	por !p0, !p0;
	s17 =	simm.s32 @!p1 $0x2;
	(pc) =	sbr.rel @!p2 .LBB1_6-.Ltmp1, $4  }
0x1a: {  	s15 =	smov.u32 s9;
	s9 =	smov.u32 s11;
	s14 =	sand.u32 @!p1 $0x3FFFFFFF, s14  }
0x1b: {  	s11 =	smov.u32 s16;
	_ =	swait.ge @!p1 [sflag:s17], s14;
	s19 =	ssub.s32 @!p1 $0x0, s14  }
0x1c: {  	s14 =	smov.u32 s10;
	s13 =	sadd.s32 $0x1, s13;
	[sflag:s17] =	ssyncset.done @!p1 $0x0  }
0x1d: {  	s10 =	smov.u32 s12;
	s12 =	smov.u32 s18;
	[sflag:s17] =	ssyncadd.s32 @!p1 s19  }
.LBB1_1:
0x1e: {  	p1 =	sgt.u32 s13, s6  }
0x1f: {  	s16 =	sshrl.u32 @!p1 s12, $0x3  }
0x20: {  	s17 =	sshll.u32 @!p1 s11, $0x3;
	s16 =	smul.u32 @!p1 $0x7A1400, s16  }
0x21: {  	s18 =	sshll.u32 @!p1 s12, $0x7;
	s17 =	sand.u32 @!p1 $0xFFFFFC00, s17  }
0x22: {  	s16 =	sadd.s32 @!p1 s16, s17;
	s17 =	sand.u32 @!p1 $0x380, s18  }
0x23: {  	s18 =	sand.u32 @!p1 $0x7F, s11;
	s16 =	sor.u32 @!p1 s17, s16  }
0x24: {  	s17 =	sor.u32 @!p1 s18, s16  }
0x25: {  	s18 =	smulhi.u32 @!p1 $0x218D6287, s17;
	_ =	sdelay $0x1  }
0x26: {  	s16 =	smulhi.u32 @!p1 $0x218D6287, s16;
	s18 =	sshrl.u32 @!p1 s18, $0x11  }
0x27: {  	s18 =	smul.u32 @!p1 $0xF4280, s18  }
0x28: {  	s19 =	sxor.u32 @!p1 $0xFFFFFFFF, s13;
	s16 =	sshrl.u32 @!p1 s16, $0x11  }
0x29: {  	s19 =	sshll.u32 @!p1 s19, $0xD;
	s16 =	sand.u32 @!p1 $0x3F, s16;
	s17 =	ssub.s32 @!p1 s17, s18  }
0x2a: {  	s16 =	smul.u32 @!p1 $0x1E850, s16;
	s18 =	sshrl.u32 @!p1 s17, $0x3;
	s17 =	sand.u32 @!p1 $0x7, s17  }
0x2b: {  	s19 =	sand.u32 @!p1 $0x2000, s19;
	s18 =	sadd.s32 @!p1 s2, s18;
	s17 =	sshll.u32 @!p1 s17, $0x12  }
0x2c: {  	s16 =	sadd.s32 @!p1 s16, s18;
	s17 =	sor.u32 @!p1 $0x400, s17;
	s18 =	simm.s32 @!p1 $0x7A1400  }
0x2d: {  	[tilespmem:s19], [sflag:$0x1] =	stream.strided.gather @!p1 [hbm4b:s16+s17], $0x2000, s18, s17, $0x38;
	[tilespmem:$0x8100] =	vst v63  }
0x2e: {  	p1 =	seq.s32 s13, $0x0  }
0x2f: {  	p2 =	sge.u32 @!p1 s13, s7  }
0x30: {  	p1 =	por p1, p2  }
.Ltmp2:
0x31: {  	_ = 	snop;
	(pc) =	sbr.rel @p1 .LBB1_5-.Ltmp2, $1  }
0x32: {  	_ =	sdelay $0x3  }
0x33: {  	s16 =	simm.s32 $0x1  }
0x34: {  	_ =	swait.ge [sflag:s4], $0x2000;
	s16 =	simm.s32 @!p0 $0x0  }
0x35: {  	[sflag:s4] =	ssyncset.done $0x0;
	s17 =	sshll.u32 s16, $0xD  }
0x36: {  	[sflag:s4] =	ssyncadd.s32 $0xFFFFE000;
	s17 =	sor.u32 $0x40, s17  }
0x37: {  	s16 =	smul.u32 $0x8200, s16;
	v0 =	vld [tilespmem:s17+$0x30]  }
0x38: {  	v1 =	vld [tilespmem:s17+$0xFFFFFFD0]  }
0x39: {  	s16 =	sshrl.u32 s16, $0x2;
	v5 =	vld [tilespmem:s17+$0xFFFFFFE0]  }
0x3a: {  	v6 =	vld [tilespmem:s17+$0xFFFFFFF0];
	s19 =	sor.u32 $0x4000, s16  }
0x3b: {  	s31 =	sand.u32 $0x1, s13;
	v4 =	vld [tilespmem:s17+$0x0];
	s18 =	sadd.s32 $0x0, s19  }
0x3c: {  	v3 =	vld [tilespmem:s17+$0x10];
	s16 =	smul.u32 $0x8200, s31;
	[tilespmem:s18+$0x1C70 ss:$0x41] =	vst.msk $0xffff, v0  }
0x3d: {  	v2 =	vld [tilespmem:s17+$0x20];
	[tilespmem:s18+$0x410 ss:$0x41] =	vst.msk $0xffff, v1  }
0x3e: {  	s16 =	sshrl.u32 s16, $0x2;
	v1 =	vld [tilespmem:s17+$0xFFFFFFC0];
	[tilespmem:s18+$0x820 ss:$0x41] =	vst.msk $0xffff, v5;
	s17 =	sadd.s32 $0x80, s17  }
0x3f: {  	s20 =	simm.s32 $0x4;
	s21 =	simm.s32 $0x8;
	s16 =	sor.u32 $0x4000, s16;
	[tilespmem:s18+$0xC30 ss:$0x41] =	vst.msk $0xffff, v6;
	v0 =	vld [tilespmem:s17+$0x30]  }
.LBB1_3:
0x40: {  	p1 =	sne.s32 s21, $0xFC;
	v5 =	vld [tilespmem:s17+$0xFFFFFFD0];
	[tilespmem:s18+$0x1040 ss:$0x41] =	vst.msk $0xffff, v4  }
0x41: {  	v6 =	vld [tilespmem:s17+$0xFFFFFFE0];
	[tilespmem:s18+$0x1450 ss:$0x41] =	vst.msk $0xffff, v3  }
0x42: {  	s22 =	sshra.s32 s20, $0x2;
	s20 =	smov.u32 s21;
	v7 =	vld [tilespmem:s17+$0xFFFFFFF0];
	[tilespmem:s18+$0x1860 ss:$0x41] =	vst.msk $0xffff, v2  }
.Ltmp3:
0x43: {  	v4 =	vld [tilespmem:s17+$0x0];
	[tilespmem:s18+$0x0 ss:$0x41] =	vst.msk $0xffff, v1;
	s18 =	sadd.s32 s22, s19;
	(pc) =	sbr.rel @p1 .LBB1_3-.Ltmp3, $4  }
0x44: {  	v3 =	vld [tilespmem:s17+$0x10];
	[tilespmem:s18+$0x1C70 ss:$0x41] =	vst.msk $0xffff, v0  }
0x45: {  	[tilespmem:s18+$0x410 ss:$0x41] =	vst.msk $0xffff, v5;
	v2 =	vld [tilespmem:s17+$0x20]  }
0x46: {  	v1 =	vld [tilespmem:s17+$0xFFFFFFC0];
	[tilespmem:s18+$0x820 ss:$0x41] =	vst.msk $0xffff, v6;
	s17 =	sadd.s32 $0x80, s17  }
0x47: {  	s21 =	sadd.s32 $0x4, s21;
	v0 =	vld [tilespmem:s17+$0x30];
	[tilespmem:s18+$0xC30 ss:$0x41] =	vst.msk $0xffff, v7  }
0x48: {  	s21 =	sshll.u32 s9, $0x7;
	s22 =	sshll.u32 s10, $0x3;
	s20 =	sshra.s32 s20, $0x2  }
0x49: {  	p1 =	sgt.s32 s9, $0xF41C0;
	s30 =	sshra.s32 s9, $0x1F;
	s25 =	sshra.s32 s10, $0x1F  }
0x4a: {  	v5 =	vld [tilespmem:s17+$0xFFFFFFD0];
	s28 =	sshrl.u32 s10, $0x3;
	s23 =	sand.u32 $0xFFFFFC00, s21;
	s22 =	sand.u32 $0xFFFFFC00, s22  }
0x4b: {  	[tilespmem:s18+$0x1040 ss:$0x41] =	vst.msk $0xffff, v4;
	v58 =	vld [tilespmem:s17+$0xFFFFFFE0];
	s21 =	sand.u32 $0x380, s21;
	s19 =	sadd.s32 s20, s19;
	s22 =	sadd.s32 s22, s23  }
0x4c: {  	v59 =	vld [tilespmem:s17+$0xFFFFFFF0];
	[tilespmem:s18+$0x1450 ss:$0x41] =	vst.msk $0xffff, v3;
	s29 =	sor.u32 s21, s22;
	s21 =	smov.u32 s9;
	s22 =	sand.u32 s30, s9  }
0x4d: {  	v60 =	vld [tilespmem:s17+$0x0];
	[tilespmem:s18+$0x1860 ss:$0x41] =	vst.msk $0xffff, v2;
	s30 =	sand.u32 $0x7, s10;
	s20 =	sshrl.u32 s29, $0x7;
	s21 =	simm.s32 @!p1 $0xF41C0  }
0x4e: {  	v61 =	vld [tilespmem:s17+$0x10];
	[tilespmem:s18+$0x0 ss:$0x41] =	vst.msk $0xffff, v1;
	p1 =	sgt.s32 s10, $0x40;
	s24 =	ssub.s32 s21, s22;
	s21 =	smov.u32 s10  }
0x4f: {  	v62 =	vld [tilespmem:s17+$0x20];
	[tilespmem:s19+$0x1C70 ss:$0x41] =	vst.msk $0xffff, v0;
	s31 =	smulhi.u32 $0x218DEF5, s20;
	s22 =	sand.u32 s25, s10;
	s21 =	simm.s32 @!p1 $0x40  }
0x50: {  	v63 =	vld [tilespmem:s17+$0xFFFFFFC0];
	[tilespmem:s19+$0x410 ss:$0x41] =	vst.msk $0xffff, v5;
	s26 =	sadd.s32 $0xFFF0BE40, s24;
	s17 =	ssub.s32 $0xF4240, s24;
	s21 =	ssub.s32 s21, s22  }
0x51: {  	[tilespmem:s19+$0x820 ss:$0x41] =	vst.msk $0xffff, v58;
	s23 =	sshrl.u32 s31, $0xD;
	p1 =	sgt.s32 s26, $0x7F;
	s27 =	sadd.s32 $0xFFFFFFC0, s21  }
0x52: {  	[tilespmem:s19+$0xC30 ss:$0x41] =	vst.msk $0xffff, v59;
	s23 =	smul.u32 $0xF4240, s23;
	s18 =	ssub.s32 $0x80, s21;
	p2 =	sgt.s32 s27, $0x3F  }
.Ltmp4:
0x53: {  	[tilespmem:s19+$0x1040 ss:$0x41] =	vst.msk $0xffff, v60;
	s17 =	simm.s32 @p1 $0x0;
	s18 =	simm.s32 @p2 $0x0;
	(pc) =	sbr.rel .LBB1_5-.Ltmp4, $4  }
0x54: {  	s29 =	sand.u32 $0xF, s28;
	[tilespmem:s19+$0x1450 ss:$0x41] =	vst.msk $0xffff, v61;
	s20 =	ssub.s32 s20, s23;
	s17 =	smul.u32 s18, s17  }
0x55: {  	[tilespmem:s19+$0x1860 ss:$0x41] =	vst.msk $0xffff, v62;
	s21 =	sshll.u32 s30, $0x12;
	s20 =	sshll.u32 s20, $0x4;
	s18 =	sadd.s32 s5, s29  }
0x56: {  	[tilespmem:s19+$0x0 ss:$0x41] =	vst.msk $0xffff, v63;
	s31 =	sor.u32 $0x40, s21;
	s18 =	sadd.s32 s20, s18;
	s17 =	sand.u32 $0x3FFFFFFF, s17  }
0x57: {  	[hbm4b:s18+s31] =	stream.strided.scatter [tilespmem:s16], [sflag:$0x2], s17, s8, s31, $0x18;
	[tilespmem:$0x8100] =	vst v63  }
.LBB1_6:
0x58: {  	_ =	sfence.sel $0x180000  }
0x59: {  	s2 =	simm.s32 $0x1;
	[bflag:$0x0] =	sbarrier.arrive $0xFFFF  }
0x5a: {  	s31 =	simm.s32 $0x2;
	[sflag:s2] =	ssyncpa.u1 $0x1  }
0x5b: {  	[sflag:s31] =	ssyncpa.u1 $0x1  }
0x5c: {  	p0 =	sne.s32 s1, $0x0;
	_ =	strace $0x90000047  }
0x5d: {  	s0 =	sadd.s32 @!p0 $0x100000, s0;
	[bflag:$0x2] =	sbarrier.arrive $0xFFFF  }
0x5e: {  	[sflag:s0] =	ssyncadd.tile.s32 @!p0 $0x1;
	_ =	shalt  }
.Lfunc_end1:
_tile_overlayer_lowered:
.L_overlay_start_2:
0x5f: {  	(tag) =	ssettag $0x2  }
0x60: {  	s0 =	rddreg [dreg:$0x0];
	s2 =	stileid.u32  }
0x61: {  	s1 =	rddreg [dreg:$0x1];
	p0 =	sne.s32 s2, $0x0  }
0x62: {  	s3 =	rddreg [dreg:$0x2];
	[bflag:$0x3] =	sbarrier.arrive $0xFFFF;
	s2 =	simm.s32 @!p0 $0x1C01  }
0x63: {  	[timem:s3], [sflag:s2] =	dma.local @!p0 [hbm:s0], s1  }
0x64: {  	s0 =	simm.s32 @!p0 $0x1  }
0x65: {  	_ =	swait.ge @!p0 [sflag:s0], s1  }
0x66: {  	s1 =	ssub.s32 @!p0 $0x0, s1;
	[sflag:s0] =	ssyncset.done @!p0 $0x0  }
0x67: {  	[sflag:s0] =	ssyncadd.s32 @!p0 s1  }
0x68: {  	[bflag:$0x3] =	sbarrier.arrive $0xFFFF  }
0x69: {  	_ =	shalt  }

</sc_bundles>
